<compile_context>
chip_gen: v7x
topology: tpu7x:2x2x1
jax: 0.10.2.dev20260603
libtpu: 0.0.44.dev20260713+nightly
codegen_flags: <defaults>
</compile_context>

<pallas_src>
import functools

import jax
import jax.numpy as jnp
from jax import lax
from jax.experimental import pallas as pl
from jax.experimental.pallas import tpu as pltpu
from jax.experimental.pallas import tpu_sc as plsc

N = 320000
D = 128
S = 10000

NSUB = 16
BLK = 128
ZCHUNK = 16
NCHUNK = S // ZCHUNK
DCHUNK = 200
NDRAIN = S // DCHUNK


def _sc_segment_sums(z, x, idx):
    mesh = plsc.VectorSubcoreMesh(core_axis_name="c", subcore_axis_name="s")

    @functools.partial(
        pl.kernel,
        out_type=[
            jax.ShapeDtypeStruct((S, D), jnp.float32),
            jax.ShapeDtypeStruct((S, D), jnp.float32),
        ],
        mesh=mesh,
        scratch_types=[
            pltpu.VMEM_SHARED((S, D), jnp.float32),
            pltpu.VMEM((ZCHUNK, D), jnp.float32),
            pltpu.VMEM((2, BLK, D), jnp.float32),
            pltpu.VMEM((BLK,), jnp.int32),
            pltpu.VMEM((BLK,), jnp.int32),
            pltpu.SemaphoreType.DMA,
            pltpu.SemaphoreType.DMA,
        ],
    )
    def seg_sums(z_hbm, x_hbm, idx_hbm, zsum_hbm, xsum_hbm, acc, zbuf,
                 rows_v, idx0_v, idx1_v, sem0, sem1):
        cid = lax.axis_index("c")
        sid = lax.axis_index("s")

        @pl.loop(0, ZCHUNK)
        def _(r):
            @pl.loop(0, D, step=16)
            def _(c):
                zbuf.at[pl.ds(r, 1), pl.ds(c, 16)][...] = jnp.zeros(
                    (1, 16), jnp.float32)

        @pl.loop(sid, NCHUNK, step=NSUB)
        def _(c):
            pltpu.async_copy(zbuf, acc.at[pl.ds(c * ZCHUNK, ZCHUNK)], sem0)

        @pl.loop(sid, NCHUNK, step=NSUB)
        def _(c):
            pltpu.make_async_copy(zbuf, acc.at[pl.ds(c * ZCHUNK, ZCHUNK)],
                                  sem0).wait()

        plsc.subcore_barrier()

        nblk = N // BLK
        bps = -(-nblk // NSUB)
        base = sid * bps
        end = jnp.minimum(base + bps, nblk)
        sems = (sem0, sem1)
        idxs = (idx0_v, idx1_v)

        def _start(rows_hbm, j, slot):
            pltpu.async_copy(rows_hbm.at[pl.ds(j * BLK, BLK)],
                             rows_v.at[slot], sems[slot])
            pltpu.async_copy(idx_hbm.at[0, pl.ds(j * BLK, BLK)],
                             idxs[slot], sems[slot])

        def _finish(rows_hbm, j, slot):
            pltpu.make_async_copy(rows_hbm.at[pl.ds(j * BLK, BLK)],
                                  rows_v.at[slot], sems[slot]).wait()
            pltpu.make_async_copy(idx_hbm.at[0, pl.ds(j * BLK, BLK)],
                                  idxs[slot], sems[slot]).wait()
            pltpu.sync_copy(rows_v.at[slot], acc.at[idxs[slot]], add=True)

        def _accumulate(rows_hbm):
            @pl.when(base < end)
            def _():
                _start(rows_hbm, base, 0)

            @pl.loop(0, bps, step=2)
            def _(k):
                j0 = base + k
                j1 = j0 + 1

                @pl.when(j1 < end)
                def _():
                    _start(rows_hbm, j1, 1)

                @pl.when(j0 < end)
                def _():
                    _finish(rows_hbm, j0, 0)

                @pl.when(j1 + 1 < end)
                def _():
                    _start(rows_hbm, j1 + 1, 0)

                @pl.when(j1 < end)
                def _():
                    _finish(rows_hbm, j1, 1)

        @pl.when(cid == 0)
        def _():
            _accumulate(z_hbm)

        @pl.when(cid == 1)
        def _():
            _accumulate(x_hbm)

        plsc.subcore_barrier()

        def _drain(out_hbm):
            @pl.loop(sid, NDRAIN, step=NSUB)
            def _(c):
                pltpu.async_copy(acc.at[pl.ds(c * DCHUNK, DCHUNK)],
                                 out_hbm.at[pl.ds(c * DCHUNK, DCHUNK)], sem0)

            @pl.loop(sid, NDRAIN, step=NSUB)
            def _(c):
                pltpu.make_async_copy(acc.at[pl.ds(c * DCHUNK, DCHUNK)],
                                      out_hbm.at[pl.ds(c * DCHUNK, DCHUNK)],
                                      sem0).wait()

        @pl.when(cid == 0)
        def _():
            _drain(zsum_hbm)

        @pl.when(cid == 1)
        def _():
            _drain(xsum_hbm)

    return seg_sums(z, x, idx)


def _linear_body(zs_ref, xs_ref, wt_ref, b_ref, o_ref):
    wt = wt_ref[...]
    o_ref[...] = (
        jnp.dot(zs_ref[...], wt[:D, :], preferred_element_type=jnp.float32)
        + jnp.dot(xs_ref[...], wt[D:, :], preferred_element_type=jnp.float32)
        + b_ref[...]
    )


def _tc_linear(z_sum, x_sum, wt, b2):
    rows = 1000
    return pl.pallas_call(
        _linear_body,
        grid=(S // rows,),
        in_specs=[
            pl.BlockSpec((rows, D), lambda i: (i, 0)),
            pl.BlockSpec((rows, D), lambda i: (i, 0)),
            pl.BlockSpec((2 * D, D), lambda i: (0, 0)),
            pl.BlockSpec((1, D), lambda i: (0, 0)),
        ],
        out_specs=pl.BlockSpec((rows, D), lambda i: (i, 0)),
        out_shape=jax.ShapeDtypeStruct((S, D), jnp.float32),
    )(z_sum, x_sum, wt, b2)


def kernel(x, z, batch, W, b):
    idx = batch.astype(jnp.int32).reshape(1, N)
    z_sum, x_sum = _sc_segment_sums(z, x, idx)
    return _tc_linear(z_sum, x_sum, W.T, b.reshape(1, D))

# --- scband reference (transcript-rebuilt; emitter-appended) ---
"""Pipeline reference for scband-decoder-53961969107553 (READ-ONLY COPY).

The authoritative reference and input builder live on the scoring server;
editing this copy changes nothing except your own understanding.
"""

import jax, jax.numpy as jnp
import numpy as np

N = 320000
D = 128
S = 10000

def setup_inputs(seed: int = 0) -> dict:
    key = jax.random.key(seed)
    k1, k2, k3, k4, k5 = jax.random.split(key, 5)
    x = jax.random.normal(k1, (N, D), dtype=jnp.float32)
    z = jax.random.normal(k2, (N, D), dtype=jnp.float32)
    batch = jnp.sort(jax.random.randint(k3, (N,), 0, S, dtype=jnp.int32)).astype(jnp.int64)
    # nn.Linear(2*D, D): W has shape [out, in] = [D, 2D], bias [D]
    W = (jax.random.normal(k4, (D, 2 * D), dtype=jnp.float32) * 0.05)
    b = (jax.random.normal(k5, (D,), dtype=jnp.float32) * 0.05)
    return {"x": x, "z": z, "batch": batch, "W": W, "b": b}

def reference(x, z, batch, W, b):
    # scatter_sum(z, batch, dim=0) -> segment_sum
    z_sum = jax.ops.segment_sum(z, batch, num_segments=S)
    x_sum = jax.ops.segment_sum(x, batch, num_segments=S)
    output = jnp.concatenate([z_sum, x_sum], axis=1)
    # nn.Linear: y = output @ W.T + b
    output = output @ W.T + b
    return output

if __name__ == "__main__":
    import jax
    _d = setup_inputs()
    print(jax.jit(kernel)(*tuple(_d.values())))

</pallas_src>

<mosaic_0001>
#map = affine_map<(d0, d1) -> (0, 0)>
module attributes {stable_mosaic.version = 14 : i64} {
  func.func @seg_sums(%arg0: i32, %arg1: i32, %arg2: memref<320000x128xf32, #tpu.memory_space<hbm>>, %arg3: memref<320000x128xf32, #tpu.memory_space<hbm>>, %arg4: memref<1x320000xi32, #tpu.memory_space<hbm>>, %arg5: memref<10000x128xf32, #tpu.memory_space<hbm>>, %arg6: memref<10000x128xf32, #tpu.memory_space<hbm>>, %arg7: memref<10000x128xf32, #tpu.memory_space<vmem_shared>>, %arg8: memref<16x128xf32, #tpu.memory_space<vmem>>, %arg9: memref<2x128x128xf32, #tpu.memory_space<vmem>>, %arg10: memref<128xi32, #tpu.memory_space<vmem>>, %arg11: memref<128xi32, #tpu.memory_space<vmem>>, %arg12: memref<!tpu.dma_semaphore, #tpu.memory_space<semaphore_mem>>, %arg13: memref<!tpu.dma_semaphore, #tpu.memory_space<semaphore_mem>>) attributes {dimension_semantics = [#tpu.dimension_semantics<core_parallel>, #tpu.dimension_semantics<subcore_parallel>], iteration_bounds = array<i64: 2, 16>, scalar_prefetch = 0 : i64, scratch_operands = 7 : i64, tpu.core_type = #tpu.core_type<sc_vector_subcore>, window_params = [{transform_indices = #map}, {transform_indices = #map}, {transform_indices = #map}, {transform_indices = #map}, {transform_indices = #map}]} {
    %scan3A = arith.constant 0 : i32
    %scan3A_0 = arith.constant 16 : i32
    %scan3A_1 = arith.addi %scan3A, %scan3A_0 : i32
    %scan3A_2 = arith.constant 1 : i32
    scf.for %scan3A_58 = %scan3A to %scan3A_1 step %scan3A_2  : i32 {
      %mul3A_59 = arith.constant 1 : i32
      %mul3A_60 = arith.muli %scan3A_58, %mul3A_59 : i32
      %add3A_61 = arith.constant 0 : i32
      %add3A_62 = arith.addi %add3A_61, %mul3A_60 : i32
      %scan3A_63 = arith.constant 0 : i32
      %scan3A_64 = arith.constant 8 : i32
      %scan3A_65 = arith.addi %scan3A_63, %scan3A_64 : i32
      %scan3A_66 = arith.constant 1 : i32
      scf.for %scan3A_68 = %scan3A_63 to %scan3A_65 step %scan3A_66  : i32 {
        %mul3A_69 = arith.constant 16 : i32
        %mul3A_70 = arith.muli %scan3A_68, %mul3A_69 : i32
        %add3A_71 = arith.constant 0 : i32
        %add3A_72 = arith.addi %add3A_71, %mul3A_70 : i32
        %broadcast_in_dim3A = arith.constant 0.000000e+00 : f32
        %broadcast_in_dim3A_73 = vector.broadcast %broadcast_in_dim3A : f32 to vector<1x16xf32>
        %swap3A = arith.index_cast %add3A_62 : i32 to index
        %swap3A_74 = arith.index_cast %add3A_72 : i32 to index
        %swap3A_75 = tpu.vector_load %arg8[%swap3A, %swap3A_74] {strides = array<i32>} : memref<16x128xf32, #tpu.memory_space<vmem>>, vector<1x16xf32>,
        %swap3A_76 = vector.shape_cast %swap3A_75 : vector<1x16xf32> to vector<1x16xf32>
        %swap3A_77 = vector.shape_cast %broadcast_in_dim3A_73 : vector<1x16xf32> to vector<1x16xf32>
        tpu.vector_store %arg8[%swap3A, %swap3A_74], %swap3A_77 {strides = array<i32>} : memref<16x128xf32, #tpu.memory_space<vmem>>, vector<1x16xf32>,
      }
      %scan3A_67 = arith.constant 8 : i32
    }
    %scan3A_3 = arith.constant 16 : i32
    %sub3A = arith.constant 625 : i32
    %sub3A_4 = arith.subi %sub3A, %arg1 : i32
    %sub3A_5 = arith.constant 16 : i32
    %sub3A_6 = arith.constant 1 : i32
    %sub3A_7 = arith.subi %sub3A_5, %sub3A_6 : i32
    %add3A = arith.addi %sub3A_4, %sub3A_7 : i32
    %div3A = arith.constant 16 : i32
    %div3A_8 = arith.divsi %add3A, %div3A : i32
    %while3A = arith.constant 16 : i32
    %while3A_9 = arith.constant 0 : i32
    %while3A_10 = arith.subi %div3A_8, %while3A_9 : i32
    %while3A_11 = arith.addi %while3A_9, %while3A_10 : i32
    %while3A_12 = arith.constant 1 : i32
    %while3A_13 = arith.divsi %while3A_10, %while3A_12 : i32
    %while3A_14 = arith.muli %while3A_13, %while3A_12 : i32
    %while3A_15 = arith.addi %while3A_9, %while3A_14 : i32
    %while3A_16 = arith.constant 1 : i32
    scf.for %while3A_58 = %while3A_9 to %while3A_15 step %while3A_16  : i32 {
      %mul3A_59 = arith.muli %while3A_58, %while3A : i32
      %add3A_60 = arith.addi %arg1, %mul3A_59 : i32
      %mul3A_61 = arith.constant 16 : i32
      %mul3A_62 = arith.muli %add3A_60, %mul3A_61 : i32
      %dma_start3A = arith.constant 0 : i32
      %dma_start3A_63 = tpu.memref_slice %arg7[%mul3A_62, %dma_start3A] : memref<10000x128xf32, #tpu.memory_space<vmem_shared>> -> memref<16x128xf32, #tpu.memory_space<vmem_shared>>
      %dma_start3A_64 = arith.constant 0 : i32
      %dma_start3A_65 = tpu.memref_slice %arg7[%mul3A_62, %dma_start3A_64] : memref<10000x128xf32, #tpu.memory_space<vmem_shared>> -> memref<16x128xf32, #tpu.memory_space<vmem_shared>>
      tpu.enqueue_dma source(%arg8 : memref<16x128xf32, #tpu.memory_space<vmem>>) target(%dma_start3A_65 : memref<16x128xf32, #tpu.memory_space<vmem_shared>>) target_semaphore(%arg12 : memref<!tpu.dma_semaphore, #tpu.memory_space<semaphore_mem>>)
    }
    %while3A_17 = arith.constant 1 : i32
    scf.for %while3A_58 = %while3A_15 to %while3A_11 step %while3A_17  : i32 {
      %mul3A_59 = arith.muli %while3A_58, %while3A : i32
      %add3A_60 = arith.addi %arg1, %mul3A_59 : i32
      %mul3A_61 = arith.constant 16 : i32
      %mul3A_62 = arith.muli %add3A_60, %mul3A_61 : i32
      %dma_start3A = arith.constant 0 : i32
      %dma_start3A_63 = tpu.memref_slice %arg7[%mul3A_62, %dma_start3A] : memref<10000x128xf32, #tpu.memory_space<vmem_shared>> -> memref<16x128xf32, #tpu.memory_space<vmem_shared>>
      %dma_start3A_64 = arith.constant 0 : i32
      %dma_start3A_65 = tpu.memref_slice %arg7[%mul3A_62, %dma_start3A_64] : memref<10000x128xf32, #tpu.memory_space<vmem_shared>> -> memref<16x128xf32, #tpu.memory_space<vmem_shared>>
      tpu.enqueue_dma source(%arg8 : memref<16x128xf32, #tpu.memory_space<vmem>>) target(%dma_start3A_65 : memref<16x128xf32, #tpu.memory_space<vmem_shared>>) target_semaphore(%arg12 : memref<!tpu.dma_semaphore, #tpu.memory_space<semaphore_mem>>)
    }
    %sub3A_18 = arith.constant 625 : i32
    %sub3A_19 = arith.subi %sub3A_18, %arg1 : i32
    %sub3A_20 = arith.constant 16 : i32
    %sub3A_21 = arith.constant 1 : i32
    %sub3A_22 = arith.subi %sub3A_20, %sub3A_21 : i32
    %add3A_23 = arith.addi %sub3A_19, %sub3A_22 : i32
    %div3A_24 = arith.constant 16 : i32
    %div3A_25 = arith.divsi %add3A_23, %div3A_24 : i32
    %while3A_26 = arith.constant 16 : i32
    %while3A_27 = arith.constant 0 : i32
    %while3A_28 = arith.subi %div3A_25, %while3A_27 : i32
    %while3A_29 = arith.addi %while3A_27, %while3A_28 : i32
    %while3A_30 = arith.constant 1 : i32
    %while3A_31 = arith.divsi %while3A_28, %while3A_30 : i32
    %while3A_32 = arith.muli %while3A_31, %while3A_30 : i32
    %while3A_33 = arith.addi %while3A_27, %while3A_32 : i32
    %while3A_34 = arith.constant 1 : i32
    scf.for %while3A_58 = %while3A_27 to %while3A_33 step %while3A_34  : i32 {
      %mul3A_59 = arith.muli %while3A_58, %while3A_26 : i32
      %add3A_60 = arith.addi %arg1, %mul3A_59 : i32
      %mul3A_61 = arith.constant 16 : i32
      %mul3A_62 = arith.muli %add3A_60, %mul3A_61 : i32
      %dma_wait3A = arith.constant 0 : i32
      %dma_wait3A_63 = tpu.memref_slice %arg7[%mul3A_62, %dma_wait3A] : memref<10000x128xf32, #tpu.memory_space<vmem_shared>> -> memref<16x128xf32, #tpu.memory_space<vmem_shared>>
      %dma_wait3A_64 = arith.constant 0 : i32
      %dma_wait3A_65 = tpu.memref_slice %arg7[%mul3A_62, %dma_wait3A_64] : memref<10000x128xf32, #tpu.memory_space<vmem_shared>> -> memref<16x128xf32, #tpu.memory_space<vmem_shared>>
      tpu.wait_dma2 semaphore(%arg12 : memref<!tpu.dma_semaphore, #tpu.memory_space<semaphore_mem>>) src(%arg8 : memref<16x128xf32, #tpu.memory_space<vmem>>) dst(%dma_wait3A_65 : memref<16x128xf32, #tpu.memory_space<vmem_shared>>)
    }
    %while3A_35 = arith.constant 1 : i32
    scf.for %while3A_58 = %while3A_33 to %while3A_29 step %while3A_35  : i32 {
      %mul3A_59 = arith.muli %while3A_58, %while3A_26 : i32
      %add3A_60 = arith.addi %arg1, %mul3A_59 : i32
      %mul3A_61 = arith.constant 16 : i32
      %mul3A_62 = arith.muli %add3A_60, %mul3A_61 : i32
      %dma_wait3A = arith.constant 0 : i32
      %dma_wait3A_63 = tpu.memref_slice %arg7[%mul3A_62, %dma_wait3A] : memref<10000x128xf32, #tpu.memory_space<vmem_shared>> -> memref<16x128xf32, #tpu.memory_space<vmem_shared>>
      %dma_wait3A_64 = arith.constant 0 : i32
      %dma_wait3A_65 = tpu.memref_slice %arg7[%mul3A_62, %dma_wait3A_64] : memref<10000x128xf32, #tpu.memory_space<vmem_shared>> -> memref<16x128xf32, #tpu.memory_space<vmem_shared>>
      tpu.wait_dma2 semaphore(%arg12 : memref<!tpu.dma_semaphore, #tpu.memory_space<semaphore_mem>>) src(%arg8 : memref<16x128xf32, #tpu.memory_space<vmem>>) dst(%dma_wait3A_65 : memref<16x128xf32, #tpu.memory_space<vmem_shared>>)
    }
    %barrier3A = arith.constant 0 : index
    tpu.barrier barrier_id(%barrier3A)
    %mul3A = arith.constant 157 : i32
    %mul3A_36 = arith.muli %arg1, %mul3A : i32
    %add3A_37 = arith.constant 157 : i32
    %add3A_38 = arith.addi %mul3A_36, %add3A_37 : i32
    %min3A = arith.constant 2500 : i32
    %min3A_39 = arith.minsi %add3A_38, %min3A : i32
    %eq3A = arith.constant 0 : i32
    %eq3A_40 = arith.cmpi eq, %arg0, %eq3A : i32
    %convert_element_type3A = arith.extui %eq3A_40 : i1 to i32
    %cond3A = arith.constant 0 : i32
    %cond3A_41 = arith.cmpi ne, %convert_element_type3A, %cond3A : i32
    scf.if %cond3A_41 {
      %lt3A = arith.cmpi slt, %mul3A_36, %min3A_39 : i32
      %convert_element_type3A_58 = arith.extui %lt3A : i1 to i32
      %cond3A_59 = arith.constant 0 : i32
      %cond3A_60 = arith.cmpi ne, %convert_element_type3A_58, %cond3A_59 : i32
      scf.if %cond3A_60 {
        %mul3A_66 = arith.constant 128 : i32
        %mul3A_67 = arith.muli %mul3A_36, %mul3A_66 : i32
        %dma_start3A = arith.constant 0 : i32
        %dma_start3A_68 = arith.constant 0 : i32
        %dma_start3A_69 = arith.constant 0 : i32
        %dma_start3A_70 = tpu.memref_slice %arg9[%dma_start3A, %dma_start3A_68, %dma_start3A_69] : memref<2x128x128xf32, #tpu.memory_space<vmem>> -> memref<1x128x128xf32, #tpu.memory_space<vmem>>
        %dma_start3A_71 = tpu.memref_squeeze %dma_start3A_70 : memref<1x128x128xf32, #tpu.memory_space<vmem>> -> memref<128x128xf32, #tpu.memory_space<vmem>>
        %dma_start3A_72 = arith.constant 0 : i32
        %dma_start3A_73 = tpu.memref_slice %arg2[%mul3A_67, %dma_start3A_72] : memref<320000x128xf32, #tpu.memory_space<hbm>> -> memref<128x128xf32, #tpu.memory_space<hbm>>
        %dma_start3A_74 = arith.constant 0 : i32
        %dma_start3A_75 = arith.constant 0 : i32
        %dma_start3A_76 = tpu.memref_slice %arg9[%dma_start3A, %dma_start3A_74, %dma_start3A_75] : memref<2x128x128xf32, #tpu.memory_space<vmem>> -> memref<1x128x128xf32, #tpu.memory_space<vmem>>
        %dma_start3A_77 = tpu.memref_squeeze %dma_start3A_76 : memref<1x128x128xf32, #tpu.memory_space<vmem>> -> memref<128x128xf32, #tpu.memory_space<vmem>>
        %dma_start3A_78 = arith.constant 0 : i32
        %dma_start3A_79 = tpu.memref_slice %arg2[%mul3A_67, %dma_start3A_78] : memref<320000x128xf32, #tpu.memory_space<hbm>> -> memref<128x128xf32, #tpu.memory_space<hbm>>
        tpu.enqueue_dma source(%dma_start3A_79 : memref<128x128xf32, #tpu.memory_space<hbm>>) target(%dma_start3A_77 : memref<128x128xf32, #tpu.memory_space<vmem>>) target_semaphore(%arg12 : memref<!tpu.dma_semaphore, #tpu.memory_space<semaphore_mem>>)
        %mul3A_80 = arith.constant 128 : i32
        %mul3A_81 = arith.muli %mul3A_36, %mul3A_80 : i32
        %dma_start3A_82 = arith.constant 0 : i32
        %dma_start3A_83 = tpu.memref_slice %arg4[%dma_start3A_82, %mul3A_81] : memref<1x320000xi32, #tpu.memory_space<hbm>> -> memref<1x128xi32, #tpu.memory_space<hbm>>
        %dma_start3A_84 = tpu.memref_squeeze %dma_start3A_83 : memref<1x128xi32, #tpu.memory_space<hbm>> -> memref<128xi32, #tpu.memory_space<hbm>>
        %dma_start3A_85 = tpu.memref_slice %arg4[%dma_start3A_82, %mul3A_81] : memref<1x320000xi32, #tpu.memory_space<hbm>> -> memref<1x128xi32, #tpu.memory_space<hbm>>
        %dma_start3A_86 = tpu.memref_squeeze %dma_start3A_85 : memref<1x128xi32, #tpu.memory_space<hbm>> -> memref<128xi32, #tpu.memory_space<hbm>>
        tpu.enqueue_dma source(%dma_start3A_86 : memref<128xi32, #tpu.memory_space<hbm>>) target(%arg10 : memref<128xi32, #tpu.memory_space<vmem>>) target_semaphore(%arg12 : memref<!tpu.dma_semaphore, #tpu.memory_space<semaphore_mem>>)
      } else {
      }
      %scan3A_61 = arith.constant 0 : i32
      %scan3A_62 = arith.constant 79 : i32
      %scan3A_63 = arith.addi %scan3A_61, %scan3A_62 : i32
      %scan3A_64 = arith.constant 1 : i32
      scf.for %scan3A_66 = %scan3A_61 to %scan3A_63 step %scan3A_64  : i32 {
        %mul3A_67 = arith.constant 2 : i32
        %mul3A_68 = arith.muli %scan3A_66, %mul3A_67 : i32
        %add3A_69 = arith.constant 0 : i32
        %add3A_70 = arith.addi %add3A_69, %mul3A_68 : i32
        %add3A_71 = arith.addi %mul3A_36, %add3A_70 : i32
        %add3A_72 = arith.constant 1 : i32
        %add3A_73 = arith.addi %add3A_71, %add3A_72 : i32
        %lt3A_74 = arith.cmpi slt, %add3A_73, %min3A_39 : i32
        %convert_element_type3A_75 = arith.extui %lt3A_74 : i1 to i32
        %cond3A_76 = arith.constant 0 : i32
        %cond3A_77 = arith.cmpi ne, %convert_element_type3A_75, %cond3A_76 : i32
        scf.if %cond3A_77 {
          %mul3A_92 = arith.constant 128 : i32
          %mul3A_93 = arith.muli %add3A_73, %mul3A_92 : i32
          %dma_start3A = arith.constant 1 : i32
          %dma_start3A_94 = arith.constant 0 : i32
          %dma_start3A_95 = arith.constant 0 : i32
          %dma_start3A_96 = tpu.memref_slice %arg9[%dma_start3A, %dma_start3A_94, %dma_start3A_95] : memref<2x128x128xf32, #tpu.memory_space<vmem>> -> memref<1x128x128xf32, #tpu.memory_space<vmem>>
          %dma_start3A_97 = tpu.memref_squeeze %dma_start3A_96 : memref<1x128x128xf32, #tpu.memory_space<vmem>> -> memref<128x128xf32, #tpu.memory_space<vmem>>
          %dma_start3A_98 = arith.constant 0 : i32
          %dma_start3A_99 = tpu.memref_slice %arg2[%mul3A_93, %dma_start3A_98] : memref<320000x128xf32, #tpu.memory_space<hbm>> -> memref<128x128xf32, #tpu.memory_space<hbm>>
          %dma_start3A_100 = arith.constant 0 : i32
          %dma_start3A_101 = arith.constant 0 : i32
          %dma_start3A_102 = tpu.memref_slice %arg9[%dma_start3A, %dma_start3A_100, %dma_start3A_101] : memref<2x128x128xf32, #tpu.memory_space<vmem>> -> memref<1x128x128xf32, #tpu.memory_space<vmem>>
          %dma_start3A_103 = tpu.memref_squeeze %dma_start3A_102 : memref<1x128x128xf32, #tpu.memory_space<vmem>> -> memref<128x128xf32, #tpu.memory_space<vmem>>
          %dma_start3A_104 = arith.constant 0 : i32
          %dma_start3A_105 = tpu.memref_slice %arg2[%mul3A_93, %dma_start3A_104] : memref<320000x128xf32, #tpu.memory_space<hbm>> -> memref<128x128xf32, #tpu.memory_space<hbm>>
          tpu.enqueue_dma source(%dma_start3A_105 : memref<128x128xf32, #tpu.memory_space<hbm>>) target(%dma_start3A_103 : memref<128x128xf32, #tpu.memory_space<vmem>>) target_semaphore(%arg13 : memref<!tpu.dma_semaphore, #tpu.memory_space<semaphore_mem>>)
          %mul3A_106 = arith.constant 128 : i32
          %mul3A_107 = arith.muli %add3A_73, %mul3A_106 : i32
          %dma_start3A_108 = arith.constant 0 : i32
          %dma_start3A_109 = tpu.memref_slice %arg4[%dma_start3A_108, %mul3A_107] : memref<1x320000xi32, #tpu.memory_space<hbm>> -> memref<1x128xi32, #tpu.memory_space<hbm>>
          %dma_start3A_110 = tpu.memref_squeeze %dma_start3A_109 : memref<1x128xi32, #tpu.memory_space<hbm>> -> memref<128xi32, #tpu.memory_space<hbm>>
          %dma_start3A_111 = tpu.memref_slice %arg4[%dma_start3A_108, %mul3A_107] : memref<1x320000xi32, #tpu.memory_space<hbm>> -> memref<1x128xi32, #tpu.memory_space<hbm>>
          %dma_start3A_112 = tpu.memref_squeeze %dma_start3A_111 : memref<1x128xi32, #tpu.memory_space<hbm>> -> memref<128xi32, #tpu.memory_space<hbm>>
          tpu.enqueue_dma source(%dma_start3A_112 : memref<128xi32, #tpu.memory_space<hbm>>) target(%arg11 : memref<128xi32, #tpu.memory_space<vmem>>) target_semaphore(%arg13 : memref<!tpu.dma_semaphore, #tpu.memory_space<semaphore_mem>>)
        } else {
        }
        %lt3A_78 = arith.cmpi slt, %add3A_71, %min3A_39 : i32
        %convert_element_type3A_79 = arith.extui %lt3A_78 : i1 to i32
        %cond3A_80 = arith.constant 0 : i32
        %cond3A_81 = arith.cmpi ne, %convert_element_type3A_79, %cond3A_80 : i32
        scf.if %cond3A_81 {
          %mul3A_92 = arith.constant 128 : i32
          %mul3A_93 = arith.muli %add3A_71, %mul3A_92 : i32
          %dma_wait3A = arith.constant 0 : i32
          %dma_wait3A_94 = arith.constant 0 : i32
          %dma_wait3A_95 = arith.constant 0 : i32
          %dma_wait3A_96 = tpu.memref_slice %arg9[%dma_wait3A, %dma_wait3A_94, %dma_wait3A_95] : memref<2x128x128xf32, #tpu.memory_space<vmem>> -> memref<1x128x128xf32, #tpu.memory_space<vmem>>
          %dma_wait3A_97 = tpu.memref_squeeze %dma_wait3A_96 : memref<1x128x128xf32, #tpu.memory_space<vmem>> -> memref<128x128xf32, #tpu.memory_space<vmem>>
          %dma_wait3A_98 = arith.constant 0 : i32
          %dma_wait3A_99 = tpu.memref_slice %arg2[%mul3A_93, %dma_wait3A_98] : memref<320000x128xf32, #tpu.memory_space<hbm>> -> memref<128x128xf32, #tpu.memory_space<hbm>>
          %dma_wait3A_100 = arith.constant 0 : i32
          %dma_wait3A_101 = arith.constant 0 : i32
          %dma_wait3A_102 = tpu.memref_slice %arg9[%dma_wait3A, %dma_wait3A_100, %dma_wait3A_101] : memref<2x128x128xf32, #tpu.memory_space<vmem>> -> memref<1x128x128xf32, #tpu.memory_space<vmem>>
          %dma_wait3A_103 = tpu.memref_squeeze %dma_wait3A_102 : memref<1x128x128xf32, #tpu.memory_space<vmem>> -> memref<128x128xf32, #tpu.memory_space<vmem>>
          %dma_wait3A_104 = arith.constant 0 : i32
          %dma_wait3A_105 = tpu.memref_slice %arg2[%mul3A_93, %dma_wait3A_104] : memref<320000x128xf32, #tpu.memory_space<hbm>> -> memref<128x128xf32, #tpu.memory_space<hbm>>
          tpu.wait_dma2 semaphore(%arg12 : memref<!tpu.dma_semaphore, #tpu.memory_space<semaphore_mem>>) src(%dma_wait3A_105 : memref<128x128xf32, #tpu.memory_space<hbm>>) dst(%dma_wait3A_103 : memref<128x128xf32, #tpu.memory_space<vmem>>)
          %mul3A_106 = arith.constant 128 : i32
          %mul3A_107 = arith.muli %add3A_71, %mul3A_106 : i32
          %dma_wait3A_108 = arith.constant 0 : i32
          %dma_wait3A_109 = tpu.memref_slice %arg4[%dma_wait3A_108, %mul3A_107] : memref<1x320000xi32, #tpu.memory_space<hbm>> -> memref<1x128xi32, #tpu.memory_space<hbm>>
          %dma_wait3A_110 = tpu.memref_squeeze %dma_wait3A_109 : memref<1x128xi32, #tpu.memory_space<hbm>> -> memref<128xi32, #tpu.memory_space<hbm>>
          %dma_wait3A_111 = tpu.memref_slice %arg4[%dma_wait3A_108, %mul3A_107] : memref<1x320000xi32, #tpu.memory_space<hbm>> -> memref<1x128xi32, #tpu.memory_space<hbm>>
          %dma_wait3A_112 = tpu.memref_squeeze %dma_wait3A_111 : memref<1x128xi32, #tpu.memory_space<hbm>> -> memref<128xi32, #tpu.memory_space<hbm>>
          tpu.wait_dma2 semaphore(%arg12 : memref<!tpu.dma_semaphore, #tpu.memory_space<semaphore_mem>>) src(%dma_wait3A_112 : memref<128xi32, #tpu.memory_space<hbm>>) dst(%arg10 : memref<128xi32, #tpu.memory_space<vmem>>)
          %run_scoped3A = arith.constant 0 : i32
          "tpu.region"() ({
            %run_scoped3A_113 = tpu.sem_alloc : memref<!tpu.dma_semaphore, #tpu.memory_space<semaphore_mem>>
            %dma_start3A = arith.constant 0 : i32
            %dma_start3A_114 = arith.constant 0 : i32
            %dma_start3A_115 = tpu.memref_slice %arg9[%run_scoped3A, %dma_start3A, %dma_start3A_114] : memref<2x128x128xf32, #tpu.memory_space<vmem>> -> memref<1x128x128xf32, #tpu.memory_space<vmem>>
            %dma_start3A_116 = tpu.memref_squeeze %dma_start3A_115 : memref<1x128x128xf32, #tpu.memory_space<vmem>> -> memref<128x128xf32, #tpu.memory_space<vmem>>
            %dma_start3A_117 = arith.constant 0 : i32
            %dma_start3A_118 = arith.constant 0 : i32
            %dma_start3A_119 = tpu.memref_slice %arg7[%dma_start3A_117, %dma_start3A_118] : memref<10000x128xf32, #tpu.memory_space<vmem_shared>> -> memref<10000x128xf32, #tpu.memory_space<vmem_shared>>
            tpu.enqueue_indirect_dma source(%dma_start3A_116 : memref<128x128xf32, #tpu.memory_space<vmem>>) target(%dma_start3A_119 : memref<10000x128xf32, #tpu.memory_space<vmem_shared>>) offsets(%arg10 : memref<128xi32, #tpu.memory_space<vmem>>) semaphore(%run_scoped3A_113 : memref<!tpu.dma_semaphore, #tpu.memory_space<semaphore_mem>>) {add = true}
            %dma_wait3A_120 = arith.constant 0 : i32
            %dma_wait3A_121 = arith.constant 0 : i32
            %dma_wait3A_122 = tpu.memref_slice %arg9[%run_scoped3A, %dma_wait3A_120, %dma_wait3A_121] : memref<2x128x128xf32, #tpu.memory_space<vmem>> -> memref<1x128x128xf32, #tpu.memory_space<vmem>>
            %dma_wait3A_123 = tpu.memref_squeeze %dma_wait3A_122 : memref<1x128x128xf32, #tpu.memory_space<vmem>> -> memref<128x128xf32, #tpu.memory_space<vmem>>
            %dma_wait3A_124 = arith.constant 0 : i32
            %dma_wait3A_125 = arith.constant 0 : i32
            %dma_wait3A_126 = tpu.memref_slice %arg7[%dma_wait3A_124, %dma_wait3A_125] : memref<10000x128xf32, #tpu.memory_space<vmem_shared>> -> memref<10000x128xf32, #tpu.memory_space<vmem_shared>>
            tpu.wait_indirect_dma semaphore(%run_scoped3A_113 : memref<!tpu.dma_semaphore, #tpu.memory_space<semaphore_mem>>) src(%dma_wait3A_123 : memref<128x128xf32, #tpu.memory_space<vmem>>) dst(%dma_wait3A_126 : memref<10000x128xf32, #tpu.memory_space<vmem_shared>>)
            tpu.yield
          }) : () -> ()
        } else {
        }
        %add3A_82 = arith.constant 1 : i32
        %add3A_83 = arith.addi %add3A_73, %add3A_82 : i32
        %lt3A_84 = arith.cmpi slt, %add3A_83, %min3A_39 : i32
        %convert_element_type3A_85 = arith.extui %lt3A_84 : i1 to i32
        %cond3A_86 = arith.constant 0 : i32
        %cond3A_87 = arith.cmpi ne, %convert_element_type3A_85, %cond3A_86 : i32
        scf.if %cond3A_87 {
          %add3A_92 = arith.constant 1 : i32
          %add3A_93 = arith.addi %add3A_73, %add3A_92 : i32
          %mul3A_94 = arith.constant 128 : i32
          %mul3A_95 = arith.muli %add3A_93, %mul3A_94 : i32
          %dma_start3A = arith.constant 0 : i32
          %dma_start3A_96 = arith.constant 0 : i32
          %dma_start3A_97 = arith.constant 0 : i32
          %dma_start3A_98 = tpu.memref_slice %arg9[%dma_start3A, %dma_start3A_96, %dma_start3A_97] : memref<2x128x128xf32, #tpu.memory_space<vmem>> -> memref<1x128x128xf32, #tpu.memory_space<vmem>>
          %dma_start3A_99 = tpu.memref_squeeze %dma_start3A_98 : memref<1x128x128xf32, #tpu.memory_space<vmem>> -> memref<128x128xf32, #tpu.memory_space<vmem>>
          %dma_start3A_100 = arith.constant 0 : i32
          %dma_start3A_101 = tpu.memref_slice %arg2[%mul3A_95, %dma_start3A_100] : memref<320000x128xf32, #tpu.memory_space<hbm>> -> memref<128x128xf32, #tpu.memory_space<hbm>>
          %dma_start3A_102 = arith.constant 0 : i32
          %dma_start3A_103 = arith.constant 0 : i32
          %dma_start3A_104 = tpu.memref_slice %arg9[%dma_start3A, %dma_start3A_102, %dma_start3A_103] : memref<2x128x128xf32, #tpu.memory_space<vmem>> -> memref<1x128x128xf32, #tpu.memory_space<vmem>>
          %dma_start3A_105 = tpu.memref_squeeze %dma_start3A_104 : memref<1x128x128xf32, #tpu.memory_space<vmem>> -> memref<128x128xf32, #tpu.memory_space<vmem>>
          %dma_start3A_106 = arith.constant 0 : i32
          %dma_start3A_107 = tpu.memref_slice %arg2[%mul3A_95, %dma_start3A_106] : memref<320000x128xf32, #tpu.memory_space<hbm>> -> memref<128x128xf32, #tpu.memory_space<hbm>>
          tpu.enqueue_dma source(%dma_start3A_107 : memref<128x128xf32, #tpu.memory_space<hbm>>) target(%dma_start3A_105 : memref<128x128xf32, #tpu.memory_space<vmem>>) target_semaphore(%arg12 : memref<!tpu.dma_semaphore, #tpu.memory_space<semaphore_mem>>)
          %mul3A_108 = arith.constant 128 : i32
          %mul3A_109 = arith.muli %add3A_93, %mul3A_108 : i32
          %dma_start3A_110 = arith.constant 0 : i32
          %dma_start3A_111 = tpu.memref_slice %arg4[%dma_start3A_110, %mul3A_109] : memref<1x320000xi32, #tpu.memory_space<hbm>> -> memref<1x128xi32, #tpu.memory_space<hbm>>
          %dma_start3A_112 = tpu.memref_squeeze %dma_start3A_111 : memref<1x128xi32, #tpu.memory_space<hbm>> -> memref<128xi32, #tpu.memory_space<hbm>>
          %dma_start3A_113 = tpu.memref_slice %arg4[%dma_start3A_110, %mul3A_109] : memref<1x320000xi32, #tpu.memory_space<hbm>> -> memref<1x128xi32, #tpu.memory_space<hbm>>
          %dma_start3A_114 = tpu.memref_squeeze %dma_start3A_113 : memref<1x128xi32, #tpu.memory_space<hbm>> -> memref<128xi32, #tpu.memory_space<hbm>>
          tpu.enqueue_dma source(%dma_start3A_114 : memref<128xi32, #tpu.memory_space<hbm>>) target(%arg10 : memref<128xi32, #tpu.memory_space<vmem>>) target_semaphore(%arg12 : memref<!tpu.dma_semaphore, #tpu.memory_space<semaphore_mem>>)
        } else {
        }
        %lt3A_88 = arith.cmpi slt, %add3A_73, %min3A_39 : i32
        %convert_element_type3A_89 = arith.extui %lt3A_88 : i1 to i32
        %cond3A_90 = arith.constant 0 : i32
        %cond3A_91 = arith.cmpi ne, %convert_element_type3A_89, %cond3A_90 : i32
        scf.if %cond3A_91 {
          %mul3A_92 = arith.constant 128 : i32
          %mul3A_93 = arith.muli %add3A_73, %mul3A_92 : i32
          %dma_wait3A = arith.constant 1 : i32
          %dma_wait3A_94 = arith.constant 0 : i32
          %dma_wait3A_95 = arith.constant 0 : i32
          %dma_wait3A_96 = tpu.memref_slice %arg9[%dma_wait3A, %dma_wait3A_94, %dma_wait3A_95] : memref<2x128x128xf32, #tpu.memory_space<vmem>> -> memref<1x128x128xf32, #tpu.memory_space<vmem>>
          %dma_wait3A_97 = tpu.memref_squeeze %dma_wait3A_96 : memref<1x128x128xf32, #tpu.memory_space<vmem>> -> memref<128x128xf32, #tpu.memory_space<vmem>>
          %dma_wait3A_98 = arith.constant 0 : i32
          %dma_wait3A_99 = tpu.memref_slice %arg2[%mul3A_93, %dma_wait3A_98] : memref<320000x128xf32, #tpu.memory_space<hbm>> -> memref<128x128xf32, #tpu.memory_space<hbm>>
          %dma_wait3A_100 = arith.constant 0 : i32
          %dma_wait3A_101 = arith.constant 0 : i32
          %dma_wait3A_102 = tpu.memref_slice %arg9[%dma_wait3A, %dma_wait3A_100, %dma_wait3A_101] : memref<2x128x128xf32, #tpu.memory_space<vmem>> -> memref<1x128x128xf32, #tpu.memory_space<vmem>>
          %dma_wait3A_103 = tpu.memref_squeeze %dma_wait3A_102 : memref<1x128x128xf32, #tpu.memory_space<vmem>> -> memref<128x128xf32, #tpu.memory_space<vmem>>
          %dma_wait3A_104 = arith.constant 0 : i32
          %dma_wait3A_105 = tpu.memref_slice %arg2[%mul3A_93, %dma_wait3A_104] : memref<320000x128xf32, #tpu.memory_space<hbm>> -> memref<128x128xf32, #tpu.memory_space<hbm>>
          tpu.wait_dma2 semaphore(%arg13 : memref<!tpu.dma_semaphore, #tpu.memory_space<semaphore_mem>>) src(%dma_wait3A_105 : memref<128x128xf32, #tpu.memory_space<hbm>>) dst(%dma_wait3A_103 : memref<128x128xf32, #tpu.memory_space<vmem>>)
          %mul3A_106 = arith.constant 128 : i32
          %mul3A_107 = arith.muli %add3A_73, %mul3A_106 : i32
          %dma_wait3A_108 = arith.constant 0 : i32
          %dma_wait3A_109 = tpu.memref_slice %arg4[%dma_wait3A_108, %mul3A_107] : memref<1x320000xi32, #tpu.memory_space<hbm>> -> memref<1x128xi32, #tpu.memory_space<hbm>>
          %dma_wait3A_110 = tpu.memref_squeeze %dma_wait3A_109 : memref<1x128xi32, #tpu.memory_space<hbm>> -> memref<128xi32, #tpu.memory_space<hbm>>
          %dma_wait3A_111 = tpu.memref_slice %arg4[%dma_wait3A_108, %mul3A_107] : memref<1x320000xi32, #tpu.memory_space<hbm>> -> memref<1x128xi32, #tpu.memory_space<hbm>>
          %dma_wait3A_112 = tpu.memref_squeeze %dma_wait3A_111 : memref<1x128xi32, #tpu.memory_space<hbm>> -> memref<128xi32, #tpu.memory_space<hbm>>
          tpu.wait_dma2 semaphore(%arg13 : memref<!tpu.dma_semaphore, #tpu.memory_space<semaphore_mem>>) src(%dma_wait3A_112 : memref<128xi32, #tpu.memory_space<hbm>>) dst(%arg11 : memref<128xi32, #tpu.memory_space<vmem>>)
          %run_scoped3A = arith.constant 1 : i32
          "tpu.region"() ({
            %run_scoped3A_113 = tpu.sem_alloc : memref<!tpu.dma_semaphore, #tpu.memory_space<semaphore_mem>>
            %dma_start3A = arith.constant 0 : i32
            %dma_start3A_114 = arith.constant 0 : i32
            %dma_start3A_115 = tpu.memref_slice %arg9[%run_scoped3A, %dma_start3A, %dma_start3A_114] : memref<2x128x128xf32, #tpu.memory_space<vmem>> -> memref<1x128x128xf32, #tpu.memory_space<vmem>>
            %dma_start3A_116 = tpu.memref_squeeze %dma_start3A_115 : memref<1x128x128xf32, #tpu.memory_space<vmem>> -> memref<128x128xf32, #tpu.memory_space<vmem>>
            %dma_start3A_117 = arith.constant 0 : i32
            %dma_start3A_118 = arith.constant 0 : i32
            %dma_start3A_119 = tpu.memref_slice %arg7[%dma_start3A_117, %dma_start3A_118] : memref<10000x128xf32, #tpu.memory_space<vmem_shared>> -> memref<10000x128xf32, #tpu.memory_space<vmem_shared>>
            tpu.enqueue_indirect_dma source(%dma_start3A_116 : memref<128x128xf32, #tpu.memory_space<vmem>>) target(%dma_start3A_119 : memref<10000x128xf32, #tpu.memory_space<vmem_shared>>) offsets(%arg11 : memref<128xi32, #tpu.memory_space<vmem>>) semaphore(%run_scoped3A_113 : memref<!tpu.dma_semaphore, #tpu.memory_space<semaphore_mem>>) {add = true}
            %dma_wait3A_120 = arith.constant 0 : i32
            %dma_wait3A_121 = arith.constant 0 : i32
            %dma_wait3A_122 = tpu.memref_slice %arg9[%run_scoped3A, %dma_wait3A_120, %dma_wait3A_121] : memref<2x128x128xf32, #tpu.memory_space<vmem>> -> memref<1x128x128xf32, #tpu.memory_space<vmem>>
            %dma_wait3A_123 = tpu.memref_squeeze %dma_wait3A_122 : memref<1x128x128xf32, #tpu.memory_space<vmem>> -> memref<128x128xf32, #tpu.memory_space<vmem>>
            %dma_wait3A_124 = arith.constant 0 : i32
            %dma_wait3A_125 = arith.constant 0 : i32
            %dma_wait3A_126 = tpu.memref_slice %arg7[%dma_wait3A_124, %dma_wait3A_125] : memref<10000x128xf32, #tpu.memory_space<vmem_shared>> -> memref<10000x128xf32, #tpu.memory_space<vmem_shared>>
            tpu.wait_indirect_dma semaphore(%run_scoped3A_113 : memref<!tpu.dma_semaphore, #tpu.memory_space<semaphore_mem>>) src(%dma_wait3A_123 : memref<128x128xf32, #tpu.memory_space<vmem>>) dst(%dma_wait3A_126 : memref<10000x128xf32, #tpu.memory_space<vmem_shared>>)
            tpu.yield
          }) : () -> ()
        } else {
        }
      }
      %scan3A_65 = arith.constant 79 : i32
    } else {
    }
    %eq3A_42 = arith.constant 1 : i32
    %eq3A_43 = arith.cmpi eq, %arg0, %eq3A_42 : i32
    %convert_element_type3A_44 = arith.extui %eq3A_43 : i1 to i32
    %cond3A_45 = arith.constant 0 : i32
    %cond3A_46 = arith.cmpi ne, %convert_element_type3A_44, %cond3A_45 : i32
    scf.if %cond3A_46 {
      %lt3A = arith.cmpi slt, %mul3A_36, %min3A_39 : i32
      %convert_element_type3A_58 = arith.extui %lt3A : i1 to i32
      %cond3A_59 = arith.constant 0 : i32
      %cond3A_60 = arith.cmpi ne, %convert_element_type3A_58, %cond3A_59 : i32
      scf.if %cond3A_60 {
        %mul3A_66 = arith.constant 128 : i32
        %mul3A_67 = arith.muli %mul3A_36, %mul3A_66 : i32
        %dma_start3A = arith.constant 0 : i32
        %dma_start3A_68 = arith.constant 0 : i32
        %dma_start3A_69 = arith.constant 0 : i32
        %dma_start3A_70 = tpu.memref_slice %arg9[%dma_start3A, %dma_start3A_68, %dma_start3A_69] : memref<2x128x128xf32, #tpu.memory_space<vmem>> -> memref<1x128x128xf32, #tpu.memory_space<vmem>>
        %dma_start3A_71 = tpu.memref_squeeze %dma_start3A_70 : memref<1x128x128xf32, #tpu.memory_space<vmem>> -> memref<128x128xf32, #tpu.memory_space<vmem>>
        %dma_start3A_72 = arith.constant 0 : i32
        %dma_start3A_73 = tpu.memref_slice %arg3[%mul3A_67, %dma_start3A_72] : memref<320000x128xf32, #tpu.memory_space<hbm>> -> memref<128x128xf32, #tpu.memory_space<hbm>>
        %dma_start3A_74 = arith.constant 0 : i32
        %dma_start3A_75 = arith.constant 0 : i32
        %dma_start3A_76 = tpu.memref_slice %arg9[%dma_start3A, %dma_start3A_74, %dma_start3A_75] : memref<2x128x128xf32, #tpu.memory_space<vmem>> -> memref<1x128x128xf32, #tpu.memory_space<vmem>>
        %dma_start3A_77 = tpu.memref_squeeze %dma_start3A_76 : memref<1x128x128xf32, #tpu.memory_space<vmem>> -> memref<128x128xf32, #tpu.memory_space<vmem>>
        %dma_start3A_78 = arith.constant 0 : i32
        %dma_start3A_79 = tpu.memref_slice %arg3[%mul3A_67, %dma_start3A_78] : memref<320000x128xf32, #tpu.memory_space<hbm>> -> memref<128x128xf32, #tpu.memory_space<hbm>>
        tpu.enqueue_dma source(%dma_start3A_79 : memref<128x128xf32, #tpu.memory_space<hbm>>) target(%dma_start3A_77 : memref<128x128xf32, #tpu.memory_space<vmem>>) target_semaphore(%arg12 : memref<!tpu.dma_semaphore, #tpu.memory_space<semaphore_mem>>)
        %mul3A_80 = arith.constant 128 : i32
        %mul3A_81 = arith.muli %mul3A_36, %mul3A_80 : i32
        %dma_start3A_82 = arith.constant 0 : i32
        %dma_start3A_83 = tpu.memref_slice %arg4[%dma_start3A_82, %mul3A_81] : memref<1x320000xi32, #tpu.memory_space<hbm>> -> memref<1x128xi32, #tpu.memory_space<hbm>>
        %dma_start3A_84 = tpu.memref_squeeze %dma_start3A_83 : memref<1x128xi32, #tpu.memory_space<hbm>> -> memref<128xi32, #tpu.memory_space<hbm>>
        %dma_start3A_85 = tpu.memref_slice %arg4[%dma_start3A_82, %mul3A_81] : memref<1x320000xi32, #tpu.memory_space<hbm>> -> memref<1x128xi32, #tpu.memory_space<hbm>>
        %dma_start3A_86 = tpu.memref_squeeze %dma_start3A_85 : memref<1x128xi32, #tpu.memory_space<hbm>> -> memref<128xi32, #tpu.memory_space<hbm>>
        tpu.enqueue_dma source(%dma_start3A_86 : memref<128xi32, #tpu.memory_space<hbm>>) target(%arg10 : memref<128xi32, #tpu.memory_space<vmem>>) target_semaphore(%arg12 : memref<!tpu.dma_semaphore, #tpu.memory_space<semaphore_mem>>)
      } else {
      }
      %scan3A_61 = arith.constant 0 : i32
      %scan3A_62 = arith.constant 79 : i32
      %scan3A_63 = arith.addi %scan3A_61, %scan3A_62 : i32
      %scan3A_64 = arith.constant 1 : i32
      scf.for %scan3A_66 = %scan3A_61 to %scan3A_63 step %scan3A_64  : i32 {
        %mul3A_67 = arith.constant 2 : i32
        %mul3A_68 = arith.muli %scan3A_66, %mul3A_67 : i32
        %add3A_69 = arith.constant 0 : i32
        %add3A_70 = arith.addi %add3A_69, %mul3A_68 : i32
        %add3A_71 = arith.addi %mul3A_36, %add3A_70 : i32
        %add3A_72 = arith.constant 1 : i32
        %add3A_73 = arith.addi %add3A_71, %add3A_72 : i32
        %lt3A_74 = arith.cmpi slt, %add3A_73, %min3A_39 : i32
        %convert_element_type3A_75 = arith.extui %lt3A_74 : i1 to i32
        %cond3A_76 = arith.constant 0 : i32
        %cond3A_77 = arith.cmpi ne, %convert_element_type3A_75, %cond3A_76 : i32
        scf.if %cond3A_77 {
          %mul3A_92 = arith.constant 128 : i32
          %mul3A_93 = arith.muli %add3A_73, %mul3A_92 : i32
          %dma_start3A = arith.constant 1 : i32
          %dma_start3A_94 = arith.constant 0 : i32
          %dma_start3A_95 = arith.constant 0 : i32
          %dma_start3A_96 = tpu.memref_slice %arg9[%dma_start3A, %dma_start3A_94, %dma_start3A_95] : memref<2x128x128xf32, #tpu.memory_space<vmem>> -> memref<1x128x128xf32, #tpu.memory_space<vmem>>
          %dma_start3A_97 = tpu.memref_squeeze %dma_start3A_96 : memref<1x128x128xf32, #tpu.memory_space<vmem>> -> memref<128x128xf32, #tpu.memory_space<vmem>>
          %dma_start3A_98 = arith.constant 0 : i32
          %dma_start3A_99 = tpu.memref_slice %arg3[%mul3A_93, %dma_start3A_98] : memref<320000x128xf32, #tpu.memory_space<hbm>> -> memref<128x128xf32, #tpu.memory_space<hbm>>
          %dma_start3A_100 = arith.constant 0 : i32
          %dma_start3A_101 = arith.constant 0 : i32
          %dma_start3A_102 = tpu.memref_slice %arg9[%dma_start3A, %dma_start3A_100, %dma_start3A_101] : memref<2x128x128xf32, #tpu.memory_space<vmem>> -> memref<1x128x128xf32, #tpu.memory_space<vmem>>
          %dma_start3A_103 = tpu.memref_squeeze %dma_start3A_102 : memref<1x128x128xf32, #tpu.memory_space<vmem>> -> memref<128x128xf32, #tpu.memory_space<vmem>>
          %dma_start3A_104 = arith.constant 0 : i32
          %dma_start3A_105 = tpu.memref_slice %arg3[%mul3A_93, %dma_start3A_104] : memref<320000x128xf32, #tpu.memory_space<hbm>> -> memref<128x128xf32, #tpu.memory_space<hbm>>
          tpu.enqueue_dma source(%dma_start3A_105 : memref<128x128xf32, #tpu.memory_space<hbm>>) target(%dma_start3A_103 : memref<128x128xf32, #tpu.memory_space<vmem>>) target_semaphore(%arg13 : memref<!tpu.dma_semaphore, #tpu.memory_space<semaphore_mem>>)
          %mul3A_106 = arith.constant 128 : i32
          %mul3A_107 = arith.muli %add3A_73, %mul3A_106 : i32
          %dma_start3A_108 = arith.constant 0 : i32
          %dma_start3A_109 = tpu.memref_slice %arg4[%dma_start3A_108, %mul3A_107] : memref<1x320000xi32, #tpu.memory_space<hbm>> -> memref<1x128xi32, #tpu.memory_space<hbm>>
          %dma_start3A_110 = tpu.memref_squeeze %dma_start3A_109 : memref<1x128xi32, #tpu.memory_space<hbm>> -> memref<128xi32, #tpu.memory_space<hbm>>
          %dma_start3A_111 = tpu.memref_slice %arg4[%dma_start3A_108, %mul3A_107] : memref<1x320000xi32, #tpu.memory_space<hbm>> -> memref<1x128xi32, #tpu.memory_space<hbm>>
          %dma_start3A_112 = tpu.memref_squeeze %dma_start3A_111 : memref<1x128xi32, #tpu.memory_space<hbm>> -> memref<128xi32, #tpu.memory_space<hbm>>
          tpu.enqueue_dma source(%dma_start3A_112 : memref<128xi32, #tpu.memory_space<hbm>>) target(%arg11 : memref<128xi32, #tpu.memory_space<vmem>>) target_semaphore(%arg13 : memref<!tpu.dma_semaphore, #tpu.memory_space<semaphore_mem>>)
        } else {
        }
        %lt3A_78 = arith.cmpi slt, %add3A_71, %min3A_39 : i32
        %convert_element_type3A_79 = arith.extui %lt3A_78 : i1 to i32
        %cond3A_80 = arith.constant 0 : i32
        %cond3A_81 = arith.cmpi ne, %convert_element_type3A_79, %cond3A_80 : i32
        scf.if %cond3A_81 {
          %mul3A_92 = arith.constant 128 : i32
          %mul3A_93 = arith.muli %add3A_71, %mul3A_92 : i32
          %dma_wait3A = arith.constant 0 : i32
          %dma_wait3A_94 = arith.constant 0 : i32
          %dma_wait3A_95 = arith.constant 0 : i32
          %dma_wait3A_96 = tpu.memref_slice %arg9[%dma_wait3A, %dma_wait3A_94, %dma_wait3A_95] : memref<2x128x128xf32, #tpu.memory_space<vmem>> -> memref<1x128x128xf32, #tpu.memory_space<vmem>>
          %dma_wait3A_97 = tpu.memref_squeeze %dma_wait3A_96 : memref<1x128x128xf32, #tpu.memory_space<vmem>> -> memref<128x128xf32, #tpu.memory_space<vmem>>
          %dma_wait3A_98 = arith.constant 0 : i32
          %dma_wait3A_99 = tpu.memref_slice %arg3[%mul3A_93, %dma_wait3A_98] : memref<320000x128xf32, #tpu.memory_space<hbm>> -> memref<128x128xf32, #tpu.memory_space<hbm>>
          %dma_wait3A_100 = arith.constant 0 : i32
          %dma_wait3A_101 = arith.constant 0 : i32
          %dma_wait3A_102 = tpu.memref_slice %arg9[%dma_wait3A, %dma_wait3A_100, %dma_wait3A_101] : memref<2x128x128xf32, #tpu.memory_space<vmem>> -> memref<1x128x128xf32, #tpu.memory_space<vmem>>
          %dma_wait3A_103 = tpu.memref_squeeze %dma_wait3A_102 : memref<1x128x128xf32, #tpu.memory_space<vmem>> -> memref<128x128xf32, #tpu.memory_space<vmem>>
          %dma_wait3A_104 = arith.constant 0 : i32
          %dma_wait3A_105 = tpu.memref_slice %arg3[%mul3A_93, %dma_wait3A_104] : memref<320000x128xf32, #tpu.memory_space<hbm>> -> memref<128x128xf32, #tpu.memory_space<hbm>>
          tpu.wait_dma2 semaphore(%arg12 : memref<!tpu.dma_semaphore, #tpu.memory_space<semaphore_mem>>) src(%dma_wait3A_105 : memref<128x128xf32, #tpu.memory_space<hbm>>) dst(%dma_wait3A_103 : memref<128x128xf32, #tpu.memory_space<vmem>>)
          %mul3A_106 = arith.constant 128 : i32
          %mul3A_107 = arith.muli %add3A_71, %mul3A_106 : i32
          %dma_wait3A_108 = arith.constant 0 : i32
          %dma_wait3A_109 = tpu.memref_slice %arg4[%dma_wait3A_108, %mul3A_107] : memref<1x320000xi32, #tpu.memory_space<hbm>> -> memref<1x128xi32, #tpu.memory_space<hbm>>
          %dma_wait3A_110 = tpu.memref_squeeze %dma_wait3A_109 : memref<1x128xi32, #tpu.memory_space<hbm>> -> memref<128xi32, #tpu.memory_space<hbm>>
          %dma_wait3A_111 = tpu.memref_slice %arg4[%dma_wait3A_108, %mul3A_107] : memref<1x320000xi32, #tpu.memory_space<hbm>> -> memref<1x128xi32, #tpu.memory_space<hbm>>
          %dma_wait3A_112 = tpu.memref_squeeze %dma_wait3A_111 : memref<1x128xi32, #tpu.memory_space<hbm>> -> memref<128xi32, #tpu.memory_space<hbm>>
          tpu.wait_dma2 semaphore(%arg12 : memref<!tpu.dma_semaphore, #tpu.memory_space<semaphore_mem>>) src(%dma_wait3A_112 : memref<128xi32, #tpu.memory_space<hbm>>) dst(%arg10 : memref<128xi32, #tpu.memory_space<vmem>>)
          %run_scoped3A = arith.constant 0 : i32
          "tpu.region"() ({
            %run_scoped3A_113 = tpu.sem_alloc : memref<!tpu.dma_semaphore, #tpu.memory_space<semaphore_mem>>
            %dma_start3A = arith.constant 0 : i32
            %dma_start3A_114 = arith.constant 0 : i32
            %dma_start3A_115 = tpu.memref_slice %arg9[%run_scoped3A, %dma_start3A, %dma_start3A_114] : memref<2x128x128xf32, #tpu.memory_space<vmem>> -> memref<1x128x128xf32, #tpu.memory_space<vmem>>
            %dma_start3A_116 = tpu.memref_squeeze %dma_start3A_115 : memref<1x128x128xf32, #tpu.memory_space<vmem>> -> memref<128x128xf32, #tpu.memory_space<vmem>>
            %dma_start3A_117 = arith.constant 0 : i32
            %dma_start3A_118 = arith.constant 0 : i32
            %dma_start3A_119 = tpu.memref_slice %arg7[%dma_start3A_117, %dma_start3A_118] : memref<10000x128xf32, #tpu.memory_space<vmem_shared>> -> memref<10000x128xf32, #tpu.memory_space<vmem_shared>>
            tpu.enqueue_indirect_dma source(%dma_start3A_116 : memref<128x128xf32, #tpu.memory_space<vmem>>) target(%dma_start3A_119 : memref<10000x128xf32, #tpu.memory_space<vmem_shared>>) offsets(%arg10 : memref<128xi32, #tpu.memory_space<vmem>>) semaphore(%run_scoped3A_113 : memref<!tpu.dma_semaphore, #tpu.memory_space<semaphore_mem>>) {add = true}
            %dma_wait3A_120 = arith.constant 0 : i32
            %dma_wait3A_121 = arith.constant 0 : i32
            %dma_wait3A_122 = tpu.memref_slice %arg9[%run_scoped3A, %dma_wait3A_120, %dma_wait3A_121] : memref<2x128x128xf32, #tpu.memory_space<vmem>> -> memref<1x128x128xf32, #tpu.memory_space<vmem>>
            %dma_wait3A_123 = tpu.memref_squeeze %dma_wait3A_122 : memref<1x128x128xf32, #tpu.memory_space<vmem>> -> memref<128x128xf32, #tpu.memory_space<vmem>>
            %dma_wait3A_124 = arith.constant 0 : i32
            %dma_wait3A_125 = arith.constant 0 : i32
            %dma_wait3A_126 = tpu.memref_slice %arg7[%dma_wait3A_124, %dma_wait3A_125] : memref<10000x128xf32, #tpu.memory_space<vmem_shared>> -> memref<10000x128xf32, #tpu.memory_space<vmem_shared>>
            tpu.wait_indirect_dma semaphore(%run_scoped3A_113 : memref<!tpu.dma_semaphore, #tpu.memory_space<semaphore_mem>>) src(%dma_wait3A_123 : memref<128x128xf32, #tpu.memory_space<vmem>>) dst(%dma_wait3A_126 : memref<10000x128xf32, #tpu.memory_space<vmem_shared>>)
            tpu.yield
          }) : () -> ()
        } else {
        }
        %add3A_82 = arith.constant 1 : i32
        %add3A_83 = arith.addi %add3A_73, %add3A_82 : i32
        %lt3A_84 = arith.cmpi slt, %add3A_83, %min3A_39 : i32
        %convert_element_type3A_85 = arith.extui %lt3A_84 : i1 to i32
        %cond3A_86 = arith.constant 0 : i32
        %cond3A_87 = arith.cmpi ne, %convert_element_type3A_85, %cond3A_86 : i32
        scf.if %cond3A_87 {
          %add3A_92 = arith.constant 1 : i32
          %add3A_93 = arith.addi %add3A_73, %add3A_92 : i32
          %mul3A_94 = arith.constant 128 : i32
          %mul3A_95 = arith.muli %add3A_93, %mul3A_94 : i32
          %dma_start3A = arith.constant 0 : i32
          %dma_start3A_96 = arith.constant 0 : i32
          %dma_start3A_97 = arith.constant 0 : i32
          %dma_start3A_98 = tpu.memref_slice %arg9[%dma_start3A, %dma_start3A_96, %dma_start3A_97] : memref<2x128x128xf32, #tpu.memory_space<vmem>> -> memref<1x128x128xf32, #tpu.memory_space<vmem>>
          %dma_start3A_99 = tpu.memref_squeeze %dma_start3A_98 : memref<1x128x128xf32, #tpu.memory_space<vmem>> -> memref<128x128xf32, #tpu.memory_space<vmem>>
          %dma_start3A_100 = arith.constant 0 : i32
          %dma_start3A_101 = tpu.memref_slice %arg3[%mul3A_95, %dma_start3A_100] : memref<320000x128xf32, #tpu.memory_space<hbm>> -> memref<128x128xf32, #tpu.memory_space<hbm>>
          %dma_start3A_102 = arith.constant 0 : i32
          %dma_start3A_103 = arith.constant 0 : i32
          %dma_start3A_104 = tpu.memref_slice %arg9[%dma_start3A, %dma_start3A_102, %dma_start3A_103] : memref<2x128x128xf32, #tpu.memory_space<vmem>> -> memref<1x128x128xf32, #tpu.memory_space<vmem>>
          %dma_start3A_105 = tpu.memref_squeeze %dma_start3A_104 : memref<1x128x128xf32, #tpu.memory_space<vmem>> -> memref<128x128xf32, #tpu.memory_space<vmem>>
          %dma_start3A_106 = arith.constant 0 : i32
          %dma_start3A_107 = tpu.memref_slice %arg3[%mul3A_95, %dma_start3A_106] : memref<320000x128xf32, #tpu.memory_space<hbm>> -> memref<128x128xf32, #tpu.memory_space<hbm>>
          tpu.enqueue_dma source(%dma_start3A_107 : memref<128x128xf32, #tpu.memory_space<hbm>>) target(%dma_start3A_105 : memref<128x128xf32, #tpu.memory_space<vmem>>) target_semaphore(%arg12 : memref<!tpu.dma_semaphore, #tpu.memory_space<semaphore_mem>>)
          %mul3A_108 = arith.constant 128 : i32
          %mul3A_109 = arith.muli %add3A_93, %mul3A_108 : i32
          %dma_start3A_110 = arith.constant 0 : i32
          %dma_start3A_111 = tpu.memref_slice %arg4[%dma_start3A_110, %mul3A_109] : memref<1x320000xi32, #tpu.memory_space<hbm>> -> memref<1x128xi32, #tpu.memory_space<hbm>>
          %dma_start3A_112 = tpu.memref_squeeze %dma_start3A_111 : memref<1x128xi32, #tpu.memory_space<hbm>> -> memref<128xi32, #tpu.memory_space<hbm>>
          %dma_start3A_113 = tpu.memref_slice %arg4[%dma_start3A_110, %mul3A_109] : memref<1x320000xi32, #tpu.memory_space<hbm>> -> memref<1x128xi32, #tpu.memory_space<hbm>>
          %dma_start3A_114 = tpu.memref_squeeze %dma_start3A_113 : memref<1x128xi32, #tpu.memory_space<hbm>> -> memref<128xi32, #tpu.memory_space<hbm>>
          tpu.enqueue_dma source(%dma_start3A_114 : memref<128xi32, #tpu.memory_space<hbm>>) target(%arg10 : memref<128xi32, #tpu.memory_space<vmem>>) target_semaphore(%arg12 : memref<!tpu.dma_semaphore, #tpu.memory_space<semaphore_mem>>)
        } else {
        }
        %lt3A_88 = arith.cmpi slt, %add3A_73, %min3A_39 : i32
        %convert_element_type3A_89 = arith.extui %lt3A_88 : i1 to i32
        %cond3A_90 = arith.constant 0 : i32
        %cond3A_91 = arith.cmpi ne, %convert_element_type3A_89, %cond3A_90 : i32
        scf.if %cond3A_91 {
          %mul3A_92 = arith.constant 128 : i32
          %mul3A_93 = arith.muli %add3A_73, %mul3A_92 : i32
          %dma_wait3A = arith.constant 1 : i32
          %dma_wait3A_94 = arith.constant 0 : i32
          %dma_wait3A_95 = arith.constant 0 : i32
          %dma_wait3A_96 = tpu.memref_slice %arg9[%dma_wait3A, %dma_wait3A_94, %dma_wait3A_95] : memref<2x128x128xf32, #tpu.memory_space<vmem>> -> memref<1x128x128xf32, #tpu.memory_space<vmem>>
          %dma_wait3A_97 = tpu.memref_squeeze %dma_wait3A_96 : memref<1x128x128xf32, #tpu.memory_space<vmem>> -> memref<128x128xf32, #tpu.memory_space<vmem>>
          %dma_wait3A_98 = arith.constant 0 : i32
          %dma_wait3A_99 = tpu.memref_slice %arg3[%mul3A_93, %dma_wait3A_98] : memref<320000x128xf32, #tpu.memory_space<hbm>> -> memref<128x128xf32, #tpu.memory_space<hbm>>
          %dma_wait3A_100 = arith.constant 0 : i32
          %dma_wait3A_101 = arith.constant 0 : i32
          %dma_wait3A_102 = tpu.memref_slice %arg9[%dma_wait3A, %dma_wait3A_100, %dma_wait3A_101] : memref<2x128x128xf32, #tpu.memory_space<vmem>> -> memref<1x128x128xf32, #tpu.memory_space<vmem>>
          %dma_wait3A_103 = tpu.memref_squeeze %dma_wait3A_102 : memref<1x128x128xf32, #tpu.memory_space<vmem>> -> memref<128x128xf32, #tpu.memory_space<vmem>>
          %dma_wait3A_104 = arith.constant 0 : i32
          %dma_wait3A_105 = tpu.memref_slice %arg3[%mul3A_93, %dma_wait3A_104] : memref<320000x128xf32, #tpu.memory_space<hbm>> -> memref<128x128xf32, #tpu.memory_space<hbm>>
          tpu.wait_dma2 semaphore(%arg13 : memref<!tpu.dma_semaphore, #tpu.memory_space<semaphore_mem>>) src(%dma_wait3A_105 : memref<128x128xf32, #tpu.memory_space<hbm>>) dst(%dma_wait3A_103 : memref<128x128xf32, #tpu.memory_space<vmem>>)
          %mul3A_106 = arith.constant 128 : i32
          %mul3A_107 = arith.muli %add3A_73, %mul3A_106 : i32
          %dma_wait3A_108 = arith.constant 0 : i32
          %dma_wait3A_109 = tpu.memref_slice %arg4[%dma_wait3A_108, %mul3A_107] : memref<1x320000xi32, #tpu.memory_space<hbm>> -> memref<1x128xi32, #tpu.memory_space<hbm>>
          %dma_wait3A_110 = tpu.memref_squeeze %dma_wait3A_109 : memref<1x128xi32, #tpu.memory_space<hbm>> -> memref<128xi32, #tpu.memory_space<hbm>>
          %dma_wait3A_111 = tpu.memref_slice %arg4[%dma_wait3A_108, %mul3A_107] : memref<1x320000xi32, #tpu.memory_space<hbm>> -> memref<1x128xi32, #tpu.memory_space<hbm>>
          %dma_wait3A_112 = tpu.memref_squeeze %dma_wait3A_111 : memref<1x128xi32, #tpu.memory_space<hbm>> -> memref<128xi32, #tpu.memory_space<hbm>>
          tpu.wait_dma2 semaphore(%arg13 : memref<!tpu.dma_semaphore, #tpu.memory_space<semaphore_mem>>) src(%dma_wait3A_112 : memref<128xi32, #tpu.memory_space<hbm>>) dst(%arg11 : memref<128xi32, #tpu.memory_space<vmem>>)
          %run_scoped3A = arith.constant 1 : i32
          "tpu.region"() ({
            %run_scoped3A_113 = tpu.sem_alloc : memref<!tpu.dma_semaphore, #tpu.memory_space<semaphore_mem>>
            %dma_start3A = arith.constant 0 : i32
            %dma_start3A_114 = arith.constant 0 : i32
            %dma_start3A_115 = tpu.memref_slice %arg9[%run_scoped3A, %dma_start3A, %dma_start3A_114] : memref<2x128x128xf32, #tpu.memory_space<vmem>> -> memref<1x128x128xf32, #tpu.memory_space<vmem>>
            %dma_start3A_116 = tpu.memref_squeeze %dma_start3A_115 : memref<1x128x128xf32, #tpu.memory_space<vmem>> -> memref<128x128xf32, #tpu.memory_space<vmem>>
            %dma_start3A_117 = arith.constant 0 : i32
            %dma_start3A_118 = arith.constant 0 : i32
            %dma_start3A_119 = tpu.memref_slice %arg7[%dma_start3A_117, %dma_start3A_118] : memref<10000x128xf32, #tpu.memory_space<vmem_shared>> -> memref<10000x128xf32, #tpu.memory_space<vmem_shared>>
            tpu.enqueue_indirect_dma source(%dma_start3A_116 : memref<128x128xf32, #tpu.memory_space<vmem>>) target(%dma_start3A_119 : memref<10000x128xf32, #tpu.memory_space<vmem_shared>>) offsets(%arg11 : memref<128xi32, #tpu.memory_space<vmem>>) semaphore(%run_scoped3A_113 : memref<!tpu.dma_semaphore, #tpu.memory_space<semaphore_mem>>) {add = true}
            %dma_wait3A_120 = arith.constant 0 : i32
            %dma_wait3A_121 = arith.constant 0 : i32
            %dma_wait3A_122 = tpu.memref_slice %arg9[%run_scoped3A, %dma_wait3A_120, %dma_wait3A_121] : memref<2x128x128xf32, #tpu.memory_space<vmem>> -> memref<1x128x128xf32, #tpu.memory_space<vmem>>
            %dma_wait3A_123 = tpu.memref_squeeze %dma_wait3A_122 : memref<1x128x128xf32, #tpu.memory_space<vmem>> -> memref<128x128xf32, #tpu.memory_space<vmem>>
            %dma_wait3A_124 = arith.constant 0 : i32
            %dma_wait3A_125 = arith.constant 0 : i32
            %dma_wait3A_126 = tpu.memref_slice %arg7[%dma_wait3A_124, %dma_wait3A_125] : memref<10000x128xf32, #tpu.memory_space<vmem_shared>> -> memref<10000x128xf32, #tpu.memory_space<vmem_shared>>
            tpu.wait_indirect_dma semaphore(%run_scoped3A_113 : memref<!tpu.dma_semaphore, #tpu.memory_space<semaphore_mem>>) src(%dma_wait3A_123 : memref<128x128xf32, #tpu.memory_space<vmem>>) dst(%dma_wait3A_126 : memref<10000x128xf32, #tpu.memory_space<vmem_shared>>)
            tpu.yield
          }) : () -> ()
        } else {
        }
      }
      %scan3A_65 = arith.constant 79 : i32
    } else {
    }
    %barrier3A_47 = arith.constant 0 : index
    tpu.barrier barrier_id(%barrier3A_47)
    %eq3A_48 = arith.constant 0 : i32
    %eq3A_49 = arith.cmpi eq, %arg0, %eq3A_48 : i32
    %convert_element_type3A_50 = arith.extui %eq3A_49 : i1 to i32
    %cond3A_51 = arith.constant 0 : i32
    %cond3A_52 = arith.cmpi ne, %convert_element_type3A_50, %cond3A_51 : i32
    scf.if %cond3A_52 {
      %sub3A_58 = arith.constant 50 : i32
      %sub3A_59 = arith.subi %sub3A_58, %arg1 : i32
      %sub3A_60 = arith.constant 16 : i32
      %sub3A_61 = arith.constant 1 : i32
      %sub3A_62 = arith.subi %sub3A_60, %sub3A_61 : i32
      %add3A_63 = arith.addi %sub3A_59, %sub3A_62 : i32
      %div3A_64 = arith.constant 16 : i32
      %div3A_65 = arith.divsi %add3A_63, %div3A_64 : i32
      %while3A_66 = arith.constant 16 : i32
      %while3A_67 = arith.constant 0 : i32
      %while3A_68 = arith.subi %div3A_65, %while3A_67 : i32
      %while3A_69 = arith.addi %while3A_67, %while3A_68 : i32
      %while3A_70 = arith.constant 1 : i32
      %while3A_71 = arith.divsi %while3A_68, %while3A_70 : i32
      %while3A_72 = arith.muli %while3A_71, %while3A_70 : i32
      %while3A_73 = arith.addi %while3A_67, %while3A_72 : i32
      %while3A_74 = arith.constant 1 : i32
      scf.for %while3A_94 = %while3A_67 to %while3A_73 step %while3A_74  : i32 {
        %mul3A_95 = arith.muli %while3A_94, %while3A_66 : i32
        %add3A_96 = arith.addi %arg1, %mul3A_95 : i32
        %mul3A_97 = arith.constant 200 : i32
        %mul3A_98 = arith.muli %add3A_96, %mul3A_97 : i32
        %mul3A_99 = arith.constant 200 : i32
        %mul3A_100 = arith.muli %add3A_96, %mul3A_99 : i32
        %dma_start3A = arith.constant 0 : i32
        %dma_start3A_101 = tpu.memref_slice %arg5[%mul3A_100, %dma_start3A] : memref<10000x128xf32, #tpu.memory_space<hbm>> -> memref<200x128xf32, #tpu.memory_space<hbm>>
        %dma_start3A_102 = arith.constant 0 : i32
        %dma_start3A_103 = tpu.memref_slice %arg7[%mul3A_98, %dma_start3A_102] : memref<10000x128xf32, #tpu.memory_space<vmem_shared>> -> memref<200x128xf32, #tpu.memory_space<vmem_shared>>
        tpu.enqueue_dma source(%dma_start3A_103 : memref<200x128xf32, #tpu.memory_space<vmem_shared>>) target(%dma_start3A_101 : memref<200x128xf32, #tpu.memory_space<hbm>>) target_semaphore(%arg12 : memref<!tpu.dma_semaphore, #tpu.memory_space<semaphore_mem>>)
      }
      %while3A_75 = arith.constant 1 : i32
      scf.for %while3A_94 = %while3A_73 to %while3A_69 step %while3A_75  : i32 {
        %mul3A_95 = arith.muli %while3A_94, %while3A_66 : i32
        %add3A_96 = arith.addi %arg1, %mul3A_95 : i32
        %mul3A_97 = arith.constant 200 : i32
        %mul3A_98 = arith.muli %add3A_96, %mul3A_97 : i32
        %mul3A_99 = arith.constant 200 : i32
        %mul3A_100 = arith.muli %add3A_96, %mul3A_99 : i32
        %dma_start3A = arith.constant 0 : i32
        %dma_start3A_101 = tpu.memref_slice %arg5[%mul3A_100, %dma_start3A] : memref<10000x128xf32, #tpu.memory_space<hbm>> -> memref<200x128xf32, #tpu.memory_space<hbm>>
        %dma_start3A_102 = arith.constant 0 : i32
        %dma_start3A_103 = tpu.memref_slice %arg7[%mul3A_98, %dma_start3A_102] : memref<10000x128xf32, #tpu.memory_space<vmem_shared>> -> memref<200x128xf32, #tpu.memory_space<vmem_shared>>
        tpu.enqueue_dma source(%dma_start3A_103 : memref<200x128xf32, #tpu.memory_space<vmem_shared>>) target(%dma_start3A_101 : memref<200x128xf32, #tpu.memory_space<hbm>>) target_semaphore(%arg12 : memref<!tpu.dma_semaphore, #tpu.memory_space<semaphore_mem>>)
      }
      %sub3A_76 = arith.constant 50 : i32
      %sub3A_77 = arith.subi %sub3A_76, %arg1 : i32
      %sub3A_78 = arith.constant 16 : i32
      %sub3A_79 = arith.constant 1 : i32
      %sub3A_80 = arith.subi %sub3A_78, %sub3A_79 : i32
      %add3A_81 = arith.addi %sub3A_77, %sub3A_80 : i32
      %div3A_82 = arith.constant 16 : i32
      %div3A_83 = arith.divsi %add3A_81, %div3A_82 : i32
      %while3A_84 = arith.constant 16 : i32
      %while3A_85 = arith.constant 0 : i32
      %while3A_86 = arith.subi %div3A_83, %while3A_85 : i32
      %while3A_87 = arith.addi %while3A_85, %while3A_86 : i32
      %while3A_88 = arith.constant 1 : i32
      %while3A_89 = arith.divsi %while3A_86, %while3A_88 : i32
      %while3A_90 = arith.muli %while3A_89, %while3A_88 : i32
      %while3A_91 = arith.addi %while3A_85, %while3A_90 : i32
      %while3A_92 = arith.constant 1 : i32
      scf.for %while3A_94 = %while3A_85 to %while3A_91 step %while3A_92  : i32 {
        %mul3A_95 = arith.muli %while3A_94, %while3A_84 : i32
        %add3A_96 = arith.addi %arg1, %mul3A_95 : i32
        %mul3A_97 = arith.constant 200 : i32
        %mul3A_98 = arith.muli %add3A_96, %mul3A_97 : i32
        %mul3A_99 = arith.constant 200 : i32
        %mul3A_100 = arith.muli %add3A_96, %mul3A_99 : i32
        %dma_wait3A = arith.constant 0 : i32
        %dma_wait3A_101 = tpu.memref_slice %arg5[%mul3A_100, %dma_wait3A] : memref<10000x128xf32, #tpu.memory_space<hbm>> -> memref<200x128xf32, #tpu.memory_space<hbm>>
        %dma_wait3A_102 = arith.constant 0 : i32
        %dma_wait3A_103 = tpu.memref_slice %arg7[%mul3A_98, %dma_wait3A_102] : memref<10000x128xf32, #tpu.memory_space<vmem_shared>> -> memref<200x128xf32, #tpu.memory_space<vmem_shared>>
        tpu.wait_dma2 semaphore(%arg12 : memref<!tpu.dma_semaphore, #tpu.memory_space<semaphore_mem>>) src(%dma_wait3A_103 : memref<200x128xf32, #tpu.memory_space<vmem_shared>>) dst(%dma_wait3A_101 : memref<200x128xf32, #tpu.memory_space<hbm>>)
      }
      %while3A_93 = arith.constant 1 : i32
      scf.for %while3A_94 = %while3A_91 to %while3A_87 step %while3A_93  : i32 {
        %mul3A_95 = arith.muli %while3A_94, %while3A_84 : i32
        %add3A_96 = arith.addi %arg1, %mul3A_95 : i32
        %mul3A_97 = arith.constant 200 : i32
        %mul3A_98 = arith.muli %add3A_96, %mul3A_97 : i32
        %mul3A_99 = arith.constant 200 : i32
        %mul3A_100 = arith.muli %add3A_96, %mul3A_99 : i32
        %dma_wait3A = arith.constant 0 : i32
        %dma_wait3A_101 = tpu.memref_slice %arg5[%mul3A_100, %dma_wait3A] : memref<10000x128xf32, #tpu.memory_space<hbm>> -> memref<200x128xf32, #tpu.memory_space<hbm>>
        %dma_wait3A_102 = arith.constant 0 : i32
        %dma_wait3A_103 = tpu.memref_slice %arg7[%mul3A_98, %dma_wait3A_102] : memref<10000x128xf32, #tpu.memory_space<vmem_shared>> -> memref<200x128xf32, #tpu.memory_space<vmem_shared>>
        tpu.wait_dma2 semaphore(%arg12 : memref<!tpu.dma_semaphore, #tpu.memory_space<semaphore_mem>>) src(%dma_wait3A_103 : memref<200x128xf32, #tpu.memory_space<vmem_shared>>) dst(%dma_wait3A_101 : memref<200x128xf32, #tpu.memory_space<hbm>>)
      }
    } else {
    }
    %eq3A_53 = arith.constant 1 : i32
    %eq3A_54 = arith.cmpi eq, %arg0, %eq3A_53 : i32
    %convert_element_type3A_55 = arith.extui %eq3A_54 : i1 to i32
    %cond3A_56 = arith.constant 0 : i32
    %cond3A_57 = arith.cmpi ne, %convert_element_type3A_55, %cond3A_56 : i32
    scf.if %cond3A_57 {
      %sub3A_58 = arith.constant 50 : i32
      %sub3A_59 = arith.subi %sub3A_58, %arg1 : i32
      %sub3A_60 = arith.constant 16 : i32
      %sub3A_61 = arith.constant 1 : i32
      %sub3A_62 = arith.subi %sub3A_60, %sub3A_61 : i32
      %add3A_63 = arith.addi %sub3A_59, %sub3A_62 : i32
      %div3A_64 = arith.constant 16 : i32
      %div3A_65 = arith.divsi %add3A_63, %div3A_64 : i32
      %while3A_66 = arith.constant 16 : i32
      %while3A_67 = arith.constant 0 : i32
      %while3A_68 = arith.subi %div3A_65, %while3A_67 : i32
      %while3A_69 = arith.addi %while3A_67, %while3A_68 : i32
      %while3A_70 = arith.constant 1 : i32
      %while3A_71 = arith.divsi %while3A_68, %while3A_70 : i32
      %while3A_72 = arith.muli %while3A_71, %while3A_70 : i32
      %while3A_73 = arith.addi %while3A_67, %while3A_72 : i32
      %while3A_74 = arith.constant 1 : i32
      scf.for %while3A_94 = %while3A_67 to %while3A_73 step %while3A_74  : i32 {
        %mul3A_95 = arith.muli %while3A_94, %while3A_66 : i32
        %add3A_96 = arith.addi %arg1, %mul3A_95 : i32
        %mul3A_97 = arith.constant 200 : i32
        %mul3A_98 = arith.muli %add3A_96, %mul3A_97 : i32
        %mul3A_99 = arith.constant 200 : i32
        %mul3A_100 = arith.muli %add3A_96, %mul3A_99 : i32
        %dma_start3A = arith.constant 0 : i32
        %dma_start3A_101 = tpu.memref_slice %arg6[%mul3A_100, %dma_start3A] : memref<10000x128xf32, #tpu.memory_space<hbm>> -> memref<200x128xf32, #tpu.memory_space<hbm>>
        %dma_start3A_102 = arith.constant 0 : i32
        %dma_start3A_103 = tpu.memref_slice %arg7[%mul3A_98, %dma_start3A_102] : memref<10000x128xf32, #tpu.memory_space<vmem_shared>> -> memref<200x128xf32, #tpu.memory_space<vmem_shared>>
        tpu.enqueue_dma source(%dma_start3A_103 : memref<200x128xf32, #tpu.memory_space<vmem_shared>>) target(%dma_start3A_101 : memref<200x128xf32, #tpu.memory_space<hbm>>) target_semaphore(%arg12 : memref<!tpu.dma_semaphore, #tpu.memory_space<semaphore_mem>>)
      }
      %while3A_75 = arith.constant 1 : i32
      scf.for %while3A_94 = %while3A_73 to %while3A_69 step %while3A_75  : i32 {
        %mul3A_95 = arith.muli %while3A_94, %while3A_66 : i32
        %add3A_96 = arith.addi %arg1, %mul3A_95 : i32
        %mul3A_97 = arith.constant 200 : i32
        %mul3A_98 = arith.muli %add3A_96, %mul3A_97 : i32
        %mul3A_99 = arith.constant 200 : i32
        %mul3A_100 = arith.muli %add3A_96, %mul3A_99 : i32
        %dma_start3A = arith.constant 0 : i32
        %dma_start3A_101 = tpu.memref_slice %arg6[%mul3A_100, %dma_start3A] : memref<10000x128xf32, #tpu.memory_space<hbm>> -> memref<200x128xf32, #tpu.memory_space<hbm>>
        %dma_start3A_102 = arith.constant 0 : i32
        %dma_start3A_103 = tpu.memref_slice %arg7[%mul3A_98, %dma_start3A_102] : memref<10000x128xf32, #tpu.memory_space<vmem_shared>> -> memref<200x128xf32, #tpu.memory_space<vmem_shared>>
        tpu.enqueue_dma source(%dma_start3A_103 : memref<200x128xf32, #tpu.memory_space<vmem_shared>>) target(%dma_start3A_101 : memref<200x128xf32, #tpu.memory_space<hbm>>) target_semaphore(%arg12 : memref<!tpu.dma_semaphore, #tpu.memory_space<semaphore_mem>>)
      }
      %sub3A_76 = arith.constant 50 : i32
      %sub3A_77 = arith.subi %sub3A_76, %arg1 : i32
      %sub3A_78 = arith.constant 16 : i32
      %sub3A_79 = arith.constant 1 : i32
      %sub3A_80 = arith.subi %sub3A_78, %sub3A_79 : i32
      %add3A_81 = arith.addi %sub3A_77, %sub3A_80 : i32
      %div3A_82 = arith.constant 16 : i32
      %div3A_83 = arith.divsi %add3A_81, %div3A_82 : i32
      %while3A_84 = arith.constant 16 : i32
      %while3A_85 = arith.constant 0 : i32
      %while3A_86 = arith.subi %div3A_83, %while3A_85 : i32
      %while3A_87 = arith.addi %while3A_85, %while3A_86 : i32
      %while3A_88 = arith.constant 1 : i32
      %while3A_89 = arith.divsi %while3A_86, %while3A_88 : i32
      %while3A_90 = arith.muli %while3A_89, %while3A_88 : i32
      %while3A_91 = arith.addi %while3A_85, %while3A_90 : i32
      %while3A_92 = arith.constant 1 : i32
      scf.for %while3A_94 = %while3A_85 to %while3A_91 step %while3A_92  : i32 {
        %mul3A_95 = arith.muli %while3A_94, %while3A_84 : i32
        %add3A_96 = arith.addi %arg1, %mul3A_95 : i32
        %mul3A_97 = arith.constant 200 : i32
        %mul3A_98 = arith.muli %add3A_96, %mul3A_97 : i32
        %mul3A_99 = arith.constant 200 : i32
        %mul3A_100 = arith.muli %add3A_96, %mul3A_99 : i32
        %dma_wait3A = arith.constant 0 : i32
        %dma_wait3A_101 = tpu.memref_slice %arg6[%mul3A_100, %dma_wait3A] : memref<10000x128xf32, #tpu.memory_space<hbm>> -> memref<200x128xf32, #tpu.memory_space<hbm>>
        %dma_wait3A_102 = arith.constant 0 : i32
        %dma_wait3A_103 = tpu.memref_slice %arg7[%mul3A_98, %dma_wait3A_102] : memref<10000x128xf32, #tpu.memory_space<vmem_shared>> -> memref<200x128xf32, #tpu.memory_space<vmem_shared>>
        tpu.wait_dma2 semaphore(%arg12 : memref<!tpu.dma_semaphore, #tpu.memory_space<semaphore_mem>>) src(%dma_wait3A_103 : memref<200x128xf32, #tpu.memory_space<vmem_shared>>) dst(%dma_wait3A_101 : memref<200x128xf32, #tpu.memory_space<hbm>>)
      }
      %while3A_93 = arith.constant 1 : i32
      scf.for %while3A_94 = %while3A_91 to %while3A_87 step %while3A_93  : i32 {
        %mul3A_95 = arith.muli %while3A_94, %while3A_84 : i32
        %add3A_96 = arith.addi %arg1, %mul3A_95 : i32
        %mul3A_97 = arith.constant 200 : i32
        %mul3A_98 = arith.muli %add3A_96, %mul3A_97 : i32
        %mul3A_99 = arith.constant 200 : i32
        %mul3A_100 = arith.muli %add3A_96, %mul3A_99 : i32
        %dma_wait3A = arith.constant 0 : i32
        %dma_wait3A_101 = tpu.memref_slice %arg6[%mul3A_100, %dma_wait3A] : memref<10000x128xf32, #tpu.memory_space<hbm>> -> memref<200x128xf32, #tpu.memory_space<hbm>>
        %dma_wait3A_102 = arith.constant 0 : i32
        %dma_wait3A_103 = tpu.memref_slice %arg7[%mul3A_98, %dma_wait3A_102] : memref<10000x128xf32, #tpu.memory_space<vmem_shared>> -> memref<200x128xf32, #tpu.memory_space<vmem_shared>>
        tpu.wait_dma2 semaphore(%arg12 : memref<!tpu.dma_semaphore, #tpu.memory_space<semaphore_mem>>) src(%dma_wait3A_103 : memref<200x128xf32, #tpu.memory_space<vmem_shared>>) dst(%dma_wait3A_101 : memref<200x128xf32, #tpu.memory_space<hbm>>)
      }
    } else {
    }
    return
  }
}

module attributes {stable_mosaic.version = 14 : i64} {
  func.func @_linear_body(%arg0: i32, %arg1: memref<1000x128xf32, #tpu.memory_space<vmem>>, %arg2: memref<1000x128xf32, #tpu.memory_space<vmem>>, %arg3: memref<256x128xf32, #tpu.memory_space<vmem>>, %arg4: memref<1x128xf32, #tpu.memory_space<vmem>>, %arg5: memref<1000x128xf32, #tpu.memory_space<vmem>>) attributes {dimension_semantics = [#tpu.dimension_semantics<arbitrary>], iteration_bounds = array<i64: 10>, scalar_prefetch = 0 : i64, scratch_operands = 0 : i64, tpu.core_type = #tpu.core_type<tc>, window_params = [{transform_indices = @transform_0, window_bounds = array<i64: 1000, 128>}, {transform_indices = @transform_1, window_bounds = array<i64: 1000, 128>}, {pipeline_mode = #tpu.pipeline_mode<synchronous>, transform_indices = @transform_2, window_bounds = array<i64: 256, 128>}, {pipeline_mode = #tpu.pipeline_mode<synchronous>, transform_indices = @transform_3, window_bounds = array<i64: 1, 128>}, {transform_indices = @transform_4, window_bounds = array<i64: 1000, 128>}]} {
    %get3A = arith.constant 0 : index
    %get3A_0 = arith.constant 0 : index
    %get3A_1 = vector.load %arg3[%get3A, %get3A_0] : memref<256x128xf32, #tpu.memory_space<vmem>>, vector<256x128xf32>
    %get3A_2 = arith.constant 0 : index
    %get3A_3 = arith.constant 0 : index
    %get3A_4 = vector.load %arg1[%get3A_2, %get3A_3] : memref<1000x128xf32, #tpu.memory_space<vmem>>, vector<1000x128xf32>
    %slice3A = vector.extract_strided_slice %get3A_1 {offsets = [0, 0], sizes = [128, 128], strides = [1, 1]} : vector<256x128xf32> to vector<128x128xf32>
    %dot_general3A = arith.constant dense<0.000000e+00> : vector<1000x128xf32>
    %dot_general3A_5 = tpu.matmul %get3A_4, %slice3A, %dot_general3A {dimension_numbers = #tpu.dot_dimension_numbers<[1], [0], [0], [1], [0, 0, 1, 1], [], []>, transpose_lhs_hint = false} : vector<1000x128xf32>, vector<128x128xf32>, vector<1000x128xf32> -> vector<1000x128xf32>
    %get3A_6 = arith.constant 0 : index
    %get3A_7 = arith.constant 0 : index
    %get3A_8 = vector.load %arg2[%get3A_6, %get3A_7] : memref<1000x128xf32, #tpu.memory_space<vmem>>, vector<1000x128xf32>
    %slice3A_9 = vector.extract_strided_slice %get3A_1 {offsets = [128, 0], sizes = [128, 128], strides = [1, 1]} : vector<256x128xf32> to vector<128x128xf32>
    %dot_general3A_10 = arith.constant dense<0.000000e+00> : vector<1000x128xf32>
    %dot_general3A_11 = tpu.matmul %get3A_8, %slice3A_9, %dot_general3A_10 {dimension_numbers = #tpu.dot_dimension_numbers<[1], [0], [0], [1], [0, 0, 1, 1], [], []>, transpose_lhs_hint = false} : vector<1000x128xf32>, vector<128x128xf32>, vector<1000x128xf32> -> vector<1000x128xf32>
    %add3A = arith.addf %dot_general3A_5, %dot_general3A_11 : vector<1000x128xf32>
    %get3A_12 = arith.constant 0 : index
    %get3A_13 = arith.constant 0 : index
    %get3A_14 = vector.load %arg4[%get3A_12, %get3A_13] : memref<1x128xf32, #tpu.memory_space<vmem>>, vector<1x128xf32>
    %add3A_15 = vector.broadcast %get3A_14 : vector<1x128xf32> to vector<1000x128xf32>
    %add3A_16 = arith.addf %add3A, %add3A_15 : vector<1000x128xf32>
    %swap3A = arith.constant 0 : index
    %swap3A_17 = arith.constant 0 : index
    %swap3A_18 = vector.load %arg5[%swap3A, %swap3A_17] : memref<1000x128xf32, #tpu.memory_space<vmem>>, vector<1000x128xf32>
    tpu.vector_store %arg5[%swap3A, %swap3A_17], %add3A_16 {strides = array<i32>} : memref<1000x128xf32, #tpu.memory_space<vmem>>, vector<1000x128xf32>,
    return
  }
  func.func @transform_0(%arg0: i32) -> (i32, i32) {
    %c0_i32 = arith.constant 0 : i32
    %c0_i32_0 = arith.constant 0 : i32
    return %arg0, %c0_i32 : i32, i32
  }
  func.func @transform_1(%arg0: i32) -> (i32, i32) {
    %c0_i32 = arith.constant 0 : i32
    %c0_i32_0 = arith.constant 0 : i32
    return %arg0, %c0_i32 : i32, i32
  }
  func.func @transform_2(%arg0: i32) -> (i32, i32) {
    %c0_i32 = arith.constant 0 : i32
    %c0_i32_0 = arith.constant 0 : i32
    %c0_i32_1 = arith.constant 0 : i32
    return %c0_i32, %c0_i32_0 : i32, i32
  }
  func.func @transform_3(%arg0: i32) -> (i32, i32) {
    %c0_i32 = arith.constant 0 : i32
    %c0_i32_0 = arith.constant 0 : i32
    %c0_i32_1 = arith.constant 0 : i32
    return %c0_i32, %c0_i32_0 : i32, i32
  }
  func.func @transform_4(%arg0: i32) -> (i32, i32) {
    %c0_i32 = arith.constant 0 : i32
    %c0_i32_0 = arith.constant 0 : i32
    return %arg0, %c0_i32 : i32, i32
  }
}

</mosaic_0001>

<sc_bundles>
// kernel: kernel.4.cloned.1.call-start
scs
__scs_entry_jumppad:
0x0: {  	(pc) =	sbr.rel $0x88, $3  }
0x1: {  	(tag) =	ssettag $0x0;
	lr =	simm.s32 $0x1  }
0x2: {  	[smem:$0x3F9C] =	sst lr;
	_ =	strace $0xD0000000  }
0x3: {  	_ = 	snop  }
0x4: {  	_ = 	snop  }
0x5: {  	_ = 	snop  }
0x6: {  	_ = 	snop  }
0x7: {  	_ = 	snop  }
__scs_overlays_trampoline_lowered:
0x8: {  	[smem:$0x3FAB] =	sst s0  }
0x9: {  	[smem:$0x3FAC] =	sst s1  }
0xa: {  	[smem:$0x3FAD] =	sst s2  }
0xb: {  	[smem:$0x3FAE] =	sst s3  }
0xc: {  	[smem:$0x3FAF] =	sst s4  }
0xd: {  	[smem:$0x3FB0] =	sst s5  }
0xe: {  	[smem:$0x3FB1] =	sst s6  }
0xf: {  	[smem:$0x3FB2] =	sst s7  }
0x10: {  	[smem:$0x3FB3] =	sst s8  }
0x11: {  	[smem:$0x3FB4] =	sst s9;
	s0 =	simm.s32 @!p0 $0x0  }
0x12: {  	s1 =	sld [smem:$0x3F9A];
	s0 =	simm.s32 @p0 $0x1  }
0x13: {  	[smem:$0x3FB5] =	sst s0;
	s0 =	simm.s32 @!p1 $0x0  }
0x14: {  	s2 =	sld [smem:$0x3F99];
	s0 =	simm.s32 @p1 $0x1  }
0x15: {  	[smem:$0x3FB6] =	sst s0;
	s0 =	simm.s32 @!p2 $0x0  }
0x16: {  	s3 =	sld [smem:$0x3FDB];
	s0 =	simm.s32 @p2 $0x1  }
0x17: {  	s4 =	simm.s32 $0x1BF5;
	[smem:$0x3FB8] =	sst s0  }
0x18: {  	s0 =	sld [smem:$0x3F9B];
	_ =	swait.ge [sflag:s4], $0x0  }
0x19: {  	s7 =	sld [smem:$0x3F9C]  }
0x1a: {  	s8 =	sadd.s32 $0xFFFFE003, lr  }
0x1b: {  	s9 =	sadd.s32 $0xFFFFFEF7, lr;
	s5 =	simm.s32 $0xFFFFFFFF;
	p2 =	slt.u32 s8, $0xFFFFF086  }
0x1c: {  	p1 =	slt.u32 s9, $0xF7A;
	s5 =	simm.s32 @!p2 $0x0  }
0x1d: {  	s5 =	simm.s32 @p1 $0x1;
	p0 =	seq.s32 s7, s2  }
0x1e: {  	s7 =	smul.u32 @!p0 $0xF7A, s2;
	p2 =	seq.s32 @!p0 s5, $0x0  }
0x1f: {  	s9 =	smul.u32 $0xF7A, s1;
	s8 =	simm.s32 @!p0 $0x1BF5;
	p2 =	por !p2, p0  }
0x20: {  	[sflag:s8] =	ssyncset.s32 @!p0 $0xFFFFF086;
	s6 =	sadd.s32 @!p0 s3, s7;
	s7 =	simm.s32 @!p0 $0x108  }
0x21: {  	s3 =	sadd.s32 s3, s9;
	s6 =	sadd.s32 @!p0 $0x88, s6;
	s7 =	simm.s32 @p2 $0x1082  }
0x22: {  	[simem:s7], [sflag:s8] =	dma.local @!p0 [hbm:s6], $0xF7A  }
0x23: {  	s9 =	sor.u32 $0xD0000000, s2;
	s6 =	simm.s32 $0x108;
	_ =	swait.ge @!p0 [sflag:s8], $0x0  }
0x24: {  	s3 =	sadd.s32 $0x88, s3;
	s6 =	simm.s32 @!p1 $0x1082;
	[sflag:s4] =	ssyncset.s32 $0xFFFFF086  }
0x25: {  	[simem:s6], [sflag:s4] =	dma.local [hbm:s3], $0xF7A  }
0x26: {  	[smem:$0x3F9C] =	sst s1;
	(tag) =	ssettag s2;
	_ =	strace s9  }
0x27: {  	s1 =	sld [smem:$0x3FAC]  }
0x28: {  	s2 =	sld [smem:$0x3FAD]  }
0x29: {  	s4 =	sld [smem:$0x3FAF]  }
0x2a: {  	p0 =	seq.s32 s5, $0x0;
	s5 =	sld [smem:$0x3FB0]  }
0x2b: {  	s6 =	sld [smem:$0x3FB1]  }
0x2c: {  	s7 =	sld [smem:$0x3FB2]  }
0x2d: {  	s3 =	simm.s32 $0x108;
	s8 =	sld [smem:$0x3FB3]  }
0x2e: {  	s3 =	simm.s32 @!p0 $0x1082;
	s9 =	sld [smem:$0x3FB4]  }
0x2f: {  	lr =	sadd.s32 s0, s3;
	s0 =	sld [smem:$0x3FAB]  }
0x30: {  	s3 =	sld [smem:$0x3FAE]  }
0x31: {  	[smem:$0x3FB7] =	sst s10  }
0x32: {  	s10 =	sld [smem:$0x3FB5];
	_ =	sdelay $0x3  }
0x33: {  	p0 =	seq.s32 s10, $0x1;
	s10 =	sld [smem:$0x3FB7];
	_ =	sdelay $0x3  }
0x34: {  	[smem:$0x3FB7] =	sst s10  }
0x35: {  	s10 =	sld [smem:$0x3FB6];
	_ =	sdelay $0x3  }
0x36: {  	p1 =	seq.s32 s10, $0x1;
	s10 =	sld [smem:$0x3FB7];
	_ =	sdelay $0x3  }
0x37: {  	[smem:$0x3FB7] =	sst s10  }
0x38: {  	s10 =	sld [smem:$0x3FB8]  }
0x39: {  	_ = 	snop;
	(pc) =	sbr.ind lr, $3  }
0x3a: {  	_ = 	snop  }
0x3b: {  	_ = 	snop  }
0x3c: {  	p2 =	seq.s32 s10, $0x1;
	s10 =	sld [smem:$0x3FB7]  }
0x3d: {  	_ =	shalt  }
0x3e: {  	_ =	shalt  }
0x3f: {  	_ =	shalt  }
0x40: {  	_ =	shalt  }
0x41: {  	_ =	shalt  }
0x42: {  	_ =	shalt  }
0x43: {  	_ =	shalt  }
0x44: {  	_ =	shalt  }
0x45: {  	_ =	shalt  }
0x46: {  	_ =	shalt  }
0x47: {  	_ =	shalt  }
0x48: {  	_ =	shalt  }
0x49: {  	_ =	shalt  }
0x4a: {  	_ =	shalt  }
0x4b: {  	_ =	shalt  }
0x4c: {  	_ =	shalt  }
0x4d: {  	_ =	shalt  }
0x4e: {  	_ =	shalt  }
0x4f: {  	_ =	shalt  }
0x50: {  	_ =	shalt  }
0x51: {  	_ =	shalt  }
0x52: {  	_ =	shalt  }
0x53: {  	_ =	shalt  }
0x54: {  	_ =	shalt  }
0x55: {  	_ =	shalt  }
0x56: {  	_ =	shalt  }
0x57: {  	_ =	shalt  }
0x58: {  	_ =	shalt  }
0x59: {  	_ =	shalt  }
0x5a: {  	_ =	shalt  }
0x5b: {  	_ =	shalt  }
0x5c: {  	_ =	shalt  }
0x5d: {  	_ =	shalt  }
0x5e: {  	_ =	shalt  }
0x5f: {  	_ =	shalt  }
0x60: {  	_ =	shalt  }
0x61: {  	_ =	shalt  }
0x62: {  	_ =	shalt  }
0x63: {  	_ =	shalt  }
0x64: {  	_ =	shalt  }
0x65: {  	_ =	shalt  }
0x66: {  	_ =	shalt  }
0x67: {  	_ =	shalt  }
0x68: {  	_ =	shalt  }
0x69: {  	_ =	shalt  }
0x6a: {  	_ =	shalt  }
0x6b: {  	_ =	shalt  }
0x6c: {  	_ =	shalt  }
0x6d: {  	_ =	shalt  }
0x6e: {  	_ =	shalt  }
0x6f: {  	_ =	shalt  }
0x70: {  	_ =	shalt  }
0x71: {  	_ =	shalt  }
0x72: {  	_ =	shalt  }
0x73: {  	_ =	shalt  }
0x74: {  	_ =	shalt  }
0x75: {  	_ =	shalt  }
0x76: {  	_ =	shalt  }
0x77: {  	_ =	shalt  }
0x78: {  	_ =	shalt  }
0x79: {  	_ =	shalt  }
0x7a: {  	_ =	shalt  }
0x7b: {  	_ =	shalt  }
0x7c: {  	_ =	shalt  }
0x7d: {  	_ =	shalt  }
0x7e: {  	_ =	shalt  }
0x7f: {  	_ =	shalt  }
0x80: {  	_ =	shalt  }
0x81: {  	_ =	shalt  }
0x82: {  	_ =	shalt  }
0x83: {  	_ =	shalt  }
0x84: {  	_ =	shalt  }
0x85: {  	_ =	shalt  }
0x86: {  	_ =	shalt  }
0x87: {  	_ =	shalt  }
.Lfunc_end0:
.L_simem_size_0:
called_computation_lowered:
.L_overlay_start_0:
0x88: {  	s2 =	sld [smem:$0x3FD9]  }
0x89: {  	s3 =	sld [smem:$0x3FFE];
	_ =	sdelay $0x1  }
0x8a: {  	s1 =	srdreg.scid  }
0x8b: {  	s0 =	sand.u32 $0x1, s1  }
0x8c: {  	s17 =	sshll.u32 s0, $0xA;
	s2 =	sadd.s32 s3, s2  }
0x8d: {  	s2 =	sadd.s32 s2, s17  }
0x8e: {  	[smem:$0x3FC3] =	sst s2  }
0x8f: {  	_ = 	snop  }
0x90: {  	s2 =	sld [smem:$0x3FC9]  }
0x91: {  	s18 =	sld [smem:$0x3FC8]  }
0x92: {  	s4 =	sld [smem:$0x3FD0];
	(tm) =	ssettm $0x1  }
0x93: {  	s5 =	sld [smem:$0x3FFB];
	_ =	sdelay $0x3  }
0x94: {  	_ =	strace s5  }
0x95: {  	s5 =	sld [smem:$0x3FFC];
	_ =	sdelay $0x3  }
0x96: {  	_ =	strace s5  }
0x97: {  	s5 =	sld [smem:$0x3FFD];
	_ =	sdelay $0x3  }
0x98: {  	_ =	strace s5  }
0x99: {  	_ =	strace $0x8FFFFFFF  }
0x9a: {  	s19 =	sld [smem:$0x3FDB];
	_ =	sdelay $0x1  }
0x9b: {  	s6 =	simm.s32 $_scs_section_size  }
0x9c: {  	s7 =	simm.s32 $_size__tile_overlayer_lowered;
	s8 =	simm.s32 $_tile_overlayer_lowered  }
0x9d: {  	s22 =	simm.s32 $0x1BFF;
	s21 =	sshll.u32 s8, $0x1;
	s5 =	sadd.s32 s6, s19  }
0x9e: {  	s9 =	simm.s32 $0x0;
	s20 =	sshll.u32 s7, $0x1;
	s7 =	sadd.s32 s21, s5  }
0x9f: {  	[timem:s9], [sflag:s22] =	dma.local [hbm:s7], s20  }
0xa0: {  	_ =	swait.ge [sflag:s22], s20  }
0xa1: {  	s6 =	ssub.s32 $0x0, s20;
	[sflag:s22] =	ssyncset.done $0x0  }
0xa2: {  	[sflag:s22] =	ssyncadd.s32 s6;
	_ =	sdelay $0x1  }
0xa3: {  	s23 =	simm.s32 $0x1B8B  }
0xa4: {  	_ =	swait.ge [sflag:s23], $0x1  }
0xa5: {  	[sflag:s23] =	ssyncset.done $0x0  }
0xa6: {  	s25 =	simm.s32 $0x1B8E;
	s24 =	sld [smem:$0x3FFE];
	[sflag:s23] =	ssyncadd.s32 $0xFFFFFFFF  }
0xa7: {  	s26 =	simm.s32 $execute0_lowered;
	[smem:$0x3FD2] =	sst s25  }
0xa8: {  	s7 =	sshll.u32 s26, $0x1;
	_ =	strace $0x80000046;
	[dreg:$0x1] =	wrdreg $0xFFFFFFFF  }
0xa9: {  	s28 =	simm.s32 $_size_execute0_lowered;
	s5 =	sadd.s32 s5, s7;
	[dreg:$0x0] =	wrdreg $0x0  }
0xaa: {  	s7 =	sshll.u32 s28, $0x1;
	[dreg:$0x2] =	wrdreg s5  }
0xab: {  	[dreg:$0x3] =	wrdreg s7  }
0xac: {  	[dreg:$0x4] =	wrdreg $0xC0  }
0xad: {  	_ =	task [dreg:s9], $0x5FFFF  }
0xae: {  	[dreg:$0x1] =	wrdreg $0xFFFFFFFF  }
0xaf: {  	[dreg:$0x0] =	wrdreg $0x60  }
0xb0: {  	[dreg:$0x2] =	wrdreg s18  }
0xb1: {  	[dreg:$0x3] =	wrdreg s2  }
0xb2: {  	[dreg:$0x4] =	wrdreg s24  }
0xb3: {  	[dreg:$0x5] =	wrdreg s4  }
0xb4: {  	[dreg:$0x6] =	wrdreg $0x0  }
0xb5: {  	[dreg:$0x7] =	wrdreg $0x9  }
0xb6: {  	_ =	task.clear_ibuf [dreg:s9], $0x8FFFF;
	_ =	strace $0x90000046  }
0xb7: {  	s29 =	simm.s32 $0x9;
	_ =	strace $0x80000048  }
0xb8: {  	_ =	swait.ge [sflag:s29], $0x1  }
0xb9: {  	[sflag:s29] =	ssyncadd.s32 $0xFFFFFFFF  }
0xba: {  	_ =	strace $0x90000048  }
0xbb: {  	_ =	sfence  }
0xbc: {  	s30 =	sld [smem:$0x0];
	_ =	sdelay $0x2  }
0xbd: {  	s31 =	sshll.u32 s1, $0xD;
	s1 =	sshrl.u32 s1, $0x2  }
0xbe: {  	s3 =	sand.u32 $0x4000, s31;
	s1 =	sadd.s32 s1, s30  }
0xbf: {  	s0 =	sor.u32 s3, s0;
	s1 =	sshll.u32 s1, $0x11  }
0xc0: {  	s0 =	sor.u32 s1, s0  }
0xc1: {  	s0 =	sadd.s32 $0x8F2B, s0  }
0xc2: {  	[sflag:s0] =	ssyncadd.remote.s32 $0x1  }
0xc3: {  	_ =	sfence.sel $0xFFFF  }
0xc4: {  	[dreg:$0x0] =	wrdreg $0xFFFFFFFF;
	(pc) =	sbr.abs _section_cstart, $3  }
0xc5: {  	[dreg:$0x1] =	wrdreg $0xFFFFFFFF  }
0xc6: {  	_ =	task.clear_ibuf [dreg:s9], $0x2FFFF;
	_ =	strace $0x9FFFFFFF  }
0xc7: {  	(tm) =	ssettm $0x7FFFFFFF  }
tec
execute0_lowered:
.L_overlay_start_1:
0x0: {  	(tag) =	ssettag $0x1  }
0x1: {  	s10 =	rddreg [dreg:$0x0]  }
0x2: {  	s8 =	rddreg [dreg:$0x1]  }
0x3: {  	s5 =	rddreg [dreg:$0x2]  }
0x4: {  	s18 =	rddreg [dreg:$0x3]  }
0x5: {  	s2 =	rddreg [dreg:$0x4];
	s1 =	stileid.u32  }
0x6: {  	s3 =	simm.s32 $0x0;
	s4 =	srdreg.scid;
	s6 =	smul.u32 $0x9D0, s1  }
0x7: {  	s20 =	simm.s32 $0x1;
	[smem:$0x7FF] =	sst s3;
	s19 =	smul.u32 $0xC80, s1  }
0x8: {  	s21 =	sand.u32 $0x1, s4;
	s4 =	smul.u32 $0x9D, s1;
	s29 =	ssub.s32 $0x280, s1  }
0x9: {  	s30 =	sshll.u32 s1, $0xB;
	s11 =	smul.u32 $0x4E800, s1;
	s13 =	ssub.s32 $0x41, s1  }
0xa: {  	s16 =	smul.u32 $0x19000, s1;
	_ =	strace $0x80000047;
	s7 =	ssub.s32 $0x2, s21  }
0xb: {  	p0 =	sne.s32 s21, $0x0;
	s14 =	sadd.s32 s6, s5;
	s28 =	sshrl.u32 s7, $0x1  }
0xc: {  	s15 =	sadd.s32 s19, s5;
	s31 =	smin.u32 s4, $0x927;
	s5 =	sshrl.u32 s29, $0x4  }
0xd: {  	s6 =	sadd.s32 s30, s2;
	s8 =	sadd.s32 s8, s11;
	s10 =	sadd.s32 s10, s11  }
.Ltmp0:
0xe: {  	s11 =	sshrl.u32 s13, $0x4;
	s16 =	sshrl.u32 s16, $0x2;
	(pc) =	sbr.rel .LBB2_1-.Ltmp0, $4  }
0xf: {  	s18 =	sadd.s32 s19, s18;
	s19 =	simm.s32 $0x13880;
	s12 =	ssub.s32 s7, s28  }
0x10: {  	s7 =	sadd.s32 $0x9D, s31;
	s9 =	sadd.s32 $0x1000, s14;
	s13 =	sadd.s32 $0x1000, s8  }
0x11: {  	s14 =	sadd.s32 $0x1020, s14;
	s15 =	sadd.s32 $0xAE00, s15;
	s16 =	sadd.s32 s16, s2  }
0x12: {  	v0 =	vimm.f32 $0.0e+00;
	s17 =	sadd.s32 $0x1000, s10;
	s12 =	smax.u32 s12, $0x1;
	p1 =	sge.u32 s4, s7  }
.LBB2_21:
0x13: {  	[sflag:s20] =	ssyncadd.s32 $0xFFFFF380  }
.LBB2_22:
0x14: {  	s3 =	sadd.s32 $0x1, s3  }
0x15: {  	p2 =	sne.s32 s3, s12  }
.Ltmp1:
0x16: {  	_ = 	snop;
	(pc) =	sbr.rel @!p2 .LBB2_23-.Ltmp1, $1  }
0x17: {  	_ =	sdelay $0x3  }
.LBB2_1:
0x18: {  	s21 =	simm.s32 $0x0;
	s22 =	simm.s32 $0x200  }
.LBB2_2:
0x19: {  	p2 =	sne.s32 s22, $0x1E00;
	[tilespmem:s21+$0x138F0] =	vst v0  }
0x1a: {  	[tilespmem:s21+$0x13880] =	vst v0  }
0x1b: {  	[tilespmem:s21+$0x13890] =	vst v0  }
.Ltmp2:
0x1c: {  	[tilespmem:s21+$0x138A0] =	vst v0;
	(pc) =	sbr.rel @p2 .LBB2_2-.Ltmp2, $4  }
0x1d: {  	[tilespmem:s21+$0x138B0] =	vst v0  }
0x1e: {  	[tilespmem:s21+$0x138C0] =	vst v0  }
0x1f: {  	[tilespmem:s21+$0x138D0] =	vst v0  }
0x20: {  	[tilespmem:s21+$0x138E0] =	vst v0;
	s21 =	sshra.s32 s22, $0x2;
	s22 =	sadd.s32 $0x200, s22  }
0x21: {  	[tilespmem:s21+$0x138F0] =	vst v0  }
0x22: {  	[tilespmem:s21+$0x13880] =	vst v0  }
0x23: {  	[tilespmem:s21+$0x13890] =	vst v0  }
0x24: {  	[tilespmem:s21+$0x138A0] =	vst v0;
	p2 =	sne.s32 s5, $0x1  }
.Ltmp3:
0x25: {  	[tilespmem:s21+$0x138B0] =	vst v0;
	(pc) =	sbr.rel @!p2 .LBB2_5-.Ltmp3, $4  }
0x26: {  	[tilespmem:s21+$0x138C0] =	vst v0  }
0x27: {  	[tilespmem:s21+$0x138D0] =	vst v0  }
0x28: {  	[tilespmem:s21+$0x138E0] =	vst v0;
	s21 =	sadd.s32 $0xFFFFFFFF, s5;
	s22 =	smov.u32 s6  }
0x29: {  	[spmem:s6] =	stream.linear.scatter [tilespmem:s19], [sflag:$0x1], $0x800, $0x38;
	[tilespmem:$0x1C180] =	vst v63  }
.LBB2_4:
0x2a: {  	p3 =	sne.s32 s21, $0x1  }
.Ltmp4:
0x2b: {  	_ = 	snop;
	(pc) =	sbr.rel @p3 .LBB2_4-.Ltmp4, $3  }
0x2c: {  	_ = 	snop  }
0x2d: {  	s21 =	sadd.s32 $0xFFFFFFFF, s21;
	s22 =	sadd.s32 $0x8000, s22;
	_ =	sdelay $0x1  }
0x2e: {  	[spmem:s22] =	stream.linear.scatter [tilespmem:s19], [sflag:$0x1], $0x800, $0x38;
	[tilespmem:$0x1C180] =	vst v63  }
.LBB2_5:
.Ltmp5:
0x2f: {  	(pc) =	sbr.rel @!p2 .LBB2_7-.Ltmp5, $3  }
0x30: {  	_ =	sdelay $0x1  }
0x31: {  	_ =	swait.ge [sflag:s20], $0x800  }
0x32: {  	s21 =	sadd.s32 $0xFFFFFFFF, s5;
	[sflag:s20] =	ssyncset.done $0x0  }
.LBB2_6:
0x33: {  	p2 =	sne.s32 s21, $0x1;
	s21 =	sadd.s32 $0xFFFFFFFF, s21;
	[sflag:s20] =	ssyncadd.s32 $0xFFFFF800  }
.Ltmp6:
0x34: {  	(pc) =	sbr.rel @p2 .LBB2_6-.Ltmp6, $3  }
0x35: {  	_ =	sdelay $0x1  }
0x36: {  	_ =	swait.ge [sflag:s20], $0x800  }
0x37: {  	[sflag:s20] =	ssyncset.done $0x0  }
.LBB2_7:
.Ltmp7:
0x38: {  	(pc) =	sbr.rel @p0 .LBB2_15-.Ltmp7, $3  }
0x39: {  	_ = 	snop  }
0x3a: {  	[sflag:s20] =	ssyncadd.s32 $0xFFFFF800  }
0x3b: {  	[bflag:$0x0] =	sbarrier.arrive $0xFFFF;
	_ =	sdelay $0x1  }
0x3c: {  	s21 =	simm.s32 @!p1 $0x0;
	s22 =	simm.s32 @!p1 $0x14080;
	s30 =	sadd.s32 $0x0, s4  }
0x3d: {  	[tilespmem:s22], [sflag:$0x1] =	stream.linear.gather @!p1 [hbm4b:s10+s21], $0x4000, $0x38;
	[tilespmem:$0x1C180] =	vst v63  }
0x3e: {  	s31 =	sadd.s32 $0x1, s30  }
0x3f: {  	s22 =	simm.s32 @!p1 $0x1C080;
	p2 =	sge.u32 s31, s7  }
0x40: {  	[tilespmem:s22], [sflag:$0x1] =	stream.linear.gather @!p1 [hbm4b:s9+s21], $0x80, $0x38;
	[tilespmem:$0x1C180] =	vst v63  }
0x41: {  	s22 =	sadd.s32 @!p2 $0xFFFFF800, s17;
	s23 =	simm.s32 @!p2 $0x0;
	s24 =	simm.s32 @!p2 $0x18080  }
0x42: {  	[tilespmem:s24], [sflag:$0x2] =	stream.linear.gather @!p2 [hbm4b:s22+s23], $0x4000, $0x38;
	[tilespmem:$0x1C180] =	vst v63  }
0x43: {  	p3 =	sge.u32 s30, s7;
	s25 =	simm.s32 @!p2 $0x1C100;
	s22 =	sadd.s32 @!p2 $0xFFFFFFF0, s14  }
0x44: {  	[tilespmem:s25], [sflag:$0x2] =	stream.linear.gather @!p2 [hbm4b:s22+s23], $0x80, $0x38;
	[tilespmem:$0x1C180] =	vst v63  }
0x45: {  	s22 =	simm.s32 @!p3 $0x1  }
0x46: {  	_ =	swait.ge @!p3 [sflag:s22], $0x4000  }
0x47: {  	[sflag:s22] =	ssyncset.done @!p3 $0x0  }
0x48: {  	[sflag:s22] =	ssyncadd.s32 @!p3 $0xFFFFC000  }
0x49: {  	s26 =	simm.s32 @!p3 $0x4;
	_ =	swait.ge @!p3 [sflag:s22], $0x80  }
0x4a: {  	s28 =	simm.s32 @!p3 $0x1C080;
	s21 =	sadd.s32 $0x2, s30;
	[sflag:s22] =	ssyncset.done @!p3 $0x0  }
0x4b: {  	s23 =	simm.s32 @!p3 $0x14080;
	[sflag:s22] =	ssyncadd.s32 @!p3 $0xFFFFFF80;
	s22 =	simm.s32 @!p3 $0x80  }
0x4c: {  	[spmem:s2] =	stream.indirect.scatter.add.f32 @!p3 [tilespmem:s23], [sflag:$0x4], $0x80, s28, s22, $0xb8;
	[tilespmem:$0x1C180] =	vst v63  }
0x4d: {  	p4 =	sge.u32 s21, s7;
	_ =	swait.ge @!p3 [sflag:s26], $0x4000  }
0x4e: {  	s21 =	simm.s32 @!p4 $0x0;
	[sflag:s26] =	ssyncset.done @!p3 $0x0  }
0x4f: {  	p2 =	por p2, p2;
	s22 =	simm.s32 @!p4 $0x14080;
	[sflag:s26] =	ssyncadd.s32 @!p3 $0xFFFFC000  }
0x50: {  	[tilespmem:s22], [sflag:$0x1] =	stream.linear.gather @!p4 [hbm4b:s17+s21], $0x4000, $0x38;
	[tilespmem:$0x1C180] =	vst v63  }
0x51: {  	s26 =	simm.s32 @!p2 $0x2;
	s22 =	simm.s32 @!p4 $0x1C080  }
0x52: {  	[tilespmem:s22], [sflag:$0x1] =	stream.linear.gather @!p4 [hbm4b:s14+s21], $0x80, $0x38;
	[tilespmem:$0x1C180] =	vst v63  }
0x53: {  	_ =	swait.ge @!p2 [sflag:s26], $0x4000  }
0x54: {  	[sflag:s26] =	ssyncset.done @!p2 $0x0  }
0x55: {  	[sflag:s26] =	ssyncadd.s32 @!p2 $0xFFFFC000  }
0x56: {  	s29 =	simm.s32 @!p2 $0x3;
	_ =	swait.ge @!p2 [sflag:s26], $0x80  }
0x57: {  	s23 =	simm.s32 $0x4;
	s28 =	sadd.s32 $0x2, s4;
	[sflag:s26] =	ssyncset.done @!p2 $0x0  }
0x58: {  	s21 =	simm.s32 @!p2 $0x80;
	s22 =	sadd.s32 $0x1000, s17;
	[sflag:s26] =	ssyncadd.s32 @!p2 $0xFFFFFF80  }
0x59: {  	[spmem:s2] =	stream.indirect.scatter.add.f32 @!p2 [tilespmem:s24], [sflag:$0x3], $0x80, s25, s21, $0xb8;
	[tilespmem:$0x1C180] =	vst v63  }
0x5a: {  	s21 =	sadd.s32 $0x20, s14;
	s25 =	sadd.s32 $0x1, s28;
	s24 =	sadd.s32 $0x2, s28  }
.LBB2_9:
0x5b: {  	p5 =	sge.u32 s25, s7  }
0x5c: {  	_ =	swait.ge @!p2 [sflag:s29], $0x4000;
	s25 =	smov.u32 s23;
	s23 =	sadd.s32 $0x2, s23  }
0x5d: {  	s30 =	sadd.s32 @!p5 $0xFFFFF800, s22;
	s31 =	simm.s32 @!p5 $0x0;
	[sflag:s29] =	ssyncset.done @!p2 $0x0  }
0x5e: {  	p3 =	sne.s32 s23, $0x9E;
	s26 =	simm.s32 @!p5 $0x18080;
	[sflag:s29] =	ssyncadd.s32 @!p2 $0xFFFFC000  }
0x5f: {  	[tilespmem:s26], [sflag:$0x2] =	stream.linear.gather @!p5 [hbm4b:s30+s31], $0x4000, $0x38;
	[tilespmem:$0x1C180] =	vst v63  }
0x60: {  	p4 =	sge.u32 s28, s7;
	s29 =	sadd.s32 @!p5 $0xFFFFFFF0, s21;
	s30 =	simm.s32 @!p5 $0x1C100  }
0x61: {  	[tilespmem:s30], [sflag:$0x2] =	stream.linear.gather @!p5 [hbm4b:s29+s31], $0x80, $0x38;
	[tilespmem:$0x1C180] =	vst v63  }
0x62: {  	s28 =	simm.s32 @!p4 $0x1;
	p2 =	por p5, p5  }
0x63: {  	_ =	swait.ge @!p4 [sflag:s28], $0x4000  }
0x64: {  	[sflag:s28] =	ssyncset.done @!p4 $0x0  }
0x65: {  	[sflag:s28] =	ssyncadd.s32 @!p4 $0xFFFFC000  }
0x66: {  	_ =	swait.ge @!p4 [sflag:s28], $0x80  }
0x67: {  	s29 =	simm.s32 @!p4 $0x14080;
	s31 =	simm.s32 @!p4 $0x4;
	[sflag:s28] =	ssyncset.done @!p4 $0x0  }
0x68: {  	s0 =	simm.s32 @!p4 $0x1C080;
	[sflag:s28] =	ssyncadd.s32 @!p4 $0xFFFFFF80;
	s28 =	simm.s32 @!p4 $0x80  }
0x69: {  	[spmem:s2] =	stream.indirect.scatter.add.f32 @!p4 [tilespmem:s29], [sflag:$0x4], $0x80, s0, s28, $0xb8;
	[tilespmem:$0x1C180] =	vst v63  }
0x6a: {  	_ =	swait.ge @!p4 [sflag:s31], $0x4000  }
0x6b: {  	p5 =	sge.u32 s24, s7;
	[sflag:s31] =	ssyncset.done @!p4 $0x0  }
0x6c: {  	s24 =	simm.s32 @!p5 $0x14080;
	s0 =	simm.s32 @!p5 $0x0;
	[sflag:s31] =	ssyncadd.s32 @!p4 $0xFFFFC000  }
0x6d: {  	[tilespmem:s24], [sflag:$0x1] =	stream.linear.gather @!p5 [hbm4b:s22+s0], $0x4000, $0x38;
	[tilespmem:$0x1C180] =	vst v63  }
0x6e: {  	s31 =	simm.s32 @!p2 $0x2;
	s24 =	simm.s32 @!p5 $0x1C080  }
0x6f: {  	[tilespmem:s24], [sflag:$0x1] =	stream.linear.gather @!p5 [hbm4b:s21+s0], $0x80, $0x38;
	[tilespmem:$0x1C180] =	vst v63  }
0x70: {  	_ =	swait.ge @!p2 [sflag:s31], $0x4000  }
0x71: {  	[sflag:s31] =	ssyncset.done @!p2 $0x0  }
.Ltmp8:
0x72: {  	s21 =	sadd.s32 $0x20, s21;
	[sflag:s31] =	ssyncadd.s32 @!p2 $0xFFFFC000;
	(pc) =	sbr.rel @p3 .LBB2_9-.Ltmp8, $4  }
0x73: {  	s22 =	sadd.s32 $0x1000, s22;
	s0 =	simm.s32 @!p2 $0x80;
	_ =	swait.ge @!p2 [sflag:s31], $0x80  }
0x74: {  	s28 =	sadd.s32 s25, s4;
	s29 =	simm.s32 @!p2 $0x3;
	[sflag:s31] =	ssyncset.done @!p2 $0x0  }
0x75: {  	s25 =	sadd.s32 $0x1, s28;
	s24 =	sadd.s32 $0x2, s28;
	[sflag:s31] =	ssyncadd.s32 @!p2 $0xFFFFFF80  }
0x76: {  	[spmem:s2] =	stream.indirect.scatter.add.f32 @!p2 [tilespmem:s26], [sflag:$0x3], $0x80, s30, s0, $0xb8;
	[tilespmem:$0x1C180] =	vst v63  }
0x77: {  	p3 =	sge.u32 s25, s7;
	_ =	swait.ge @!p2 [sflag:s29], $0x4000  }
0x78: {  	s0 =	sadd.s32 @!p3 $0xFFFFF800, s22;
	[sflag:s29] =	ssyncset.done @!p2 $0x0  }
0x79: {  	s23 =	simm.s32 @!p3 $0x0;
	s25 =	simm.s32 @!p3 $0x18080;
	[sflag:s29] =	ssyncadd.s32 @!p2 $0xFFFFC000  }
0x7a: {  	[tilespmem:s25], [sflag:$0x2] =	stream.linear.gather @!p3 [hbm4b:s0+s23], $0x4000, $0x38;
	[tilespmem:$0x1C180] =	vst v63  }
0x7b: {  	p4 =	sge.u32 s28, s7;
	s26 =	simm.s32 @!p3 $0x1C100;
	s0 =	sadd.s32 @!p3 $0xFFFFFFF0, s21  }
0x7c: {  	[tilespmem:s26], [sflag:$0x2] =	stream.linear.gather @!p3 [hbm4b:s0+s23], $0x80, $0x38;
	[tilespmem:$0x1C180] =	vst v63  }
0x7d: {  	s0 =	simm.s32 @!p4 $0x1  }
0x7e: {  	_ =	swait.ge @!p4 [sflag:s0], $0x4000  }
0x7f: {  	[sflag:s0] =	ssyncset.done @!p4 $0x0  }
0x80: {  	[sflag:s0] =	ssyncadd.s32 @!p4 $0xFFFFC000  }
0x81: {  	_ =	swait.ge @!p4 [sflag:s0], $0x80  }
0x82: {  	s28 =	simm.s32 @!p4 $0x4;
	s29 =	simm.s32 @!p4 $0x1C080;
	[sflag:s0] =	ssyncset.done @!p4 $0x0  }
0x83: {  	s23 =	simm.s32 @!p4 $0x14080;
	[sflag:s0] =	ssyncadd.s32 @!p4 $0xFFFFFF80;
	s0 =	simm.s32 @!p4 $0x80  }
0x84: {  	[spmem:s2] =	stream.indirect.scatter.add.f32 @!p4 [tilespmem:s23], [sflag:$0x4], $0x80, s29, s0, $0xb8;
	[tilespmem:$0x1C180] =	vst v63  }
0x85: {  	_ =	swait.ge @!p4 [sflag:s28], $0x4000  }
0x86: {  	p2 =	por p3, p3;
	p3 =	sge.u32 s24, s7;
	[sflag:s28] =	ssyncset.done @!p4 $0x0  }
0x87: {  	s0 =	simm.s32 @!p3 $0x0;
	s23 =	simm.s32 @!p3 $0x14080;
	[sflag:s28] =	ssyncadd.s32 @!p4 $0xFFFFC000  }
0x88: {  	[tilespmem:s23], [sflag:$0x1] =	stream.linear.gather @!p3 [hbm4b:s22+s0], $0x4000, $0x38;
	[tilespmem:$0x1C180] =	vst v63  }
0x89: {  	s22 =	simm.s32 @!p3 $0x1C080;
	s23 =	simm.s32 @!p2 $0x2  }
0x8a: {  	[tilespmem:s22], [sflag:$0x1] =	stream.linear.gather @!p3 [hbm4b:s21+s0], $0x80, $0x38;
	[tilespmem:$0x1C180] =	vst v63  }
0x8b: {  	_ =	swait.ge @!p2 [sflag:s23], $0x4000  }
0x8c: {  	[sflag:s23] =	ssyncset.done @!p2 $0x0  }
0x8d: {  	[sflag:s23] =	ssyncadd.s32 @!p2 $0xFFFFC000  }
0x8e: {  	_ =	swait.ge @!p2 [sflag:s23], $0x80  }
0x8f: {  	[sflag:s23] =	ssyncset.done @!p2 $0x0  }
0x90: {  	s0 =	simm.s32 @!p2 $0x80;
	s21 =	simm.s32 @!p2 $0x3;
	[sflag:s23] =	ssyncadd.s32 @!p2 $0xFFFFFF80  }
0x91: {  	[spmem:s2] =	stream.indirect.scatter.add.f32 @!p2 [tilespmem:s25], [sflag:$0x3], $0x80, s26, s0, $0xb8;
	[tilespmem:$0x1C180] =	vst v63  }
0x92: {  	_ =	swait.ge @!p2 [sflag:s21], $0x4000  }
0x93: {  	[sflag:s21] =	ssyncset.done @!p2 $0x0  }
0x94: {  	[sflag:s21] =	ssyncadd.s32 @!p2 $0xFFFFC000;
	p2 =	sne.s32 s11, $0x1  }
.Ltmp9:
0x95: {  	_ = 	snop;
	(pc) =	sbr.rel @!p2 .LBB2_12-.Ltmp9, $4  }
0x96: {  	s30 =	sshll.u32 s1, $0x6  }
0x97: {  	s31 =	sshrl.u32 s16, $0x3;
	s24 =	smov.u32 s18;
	s22 =	sadd.s32 $0xFFFFFFFF, s11  }
0x98: {  	s23 =	sadd.s32 $0x64000, s16;
	s21 =	sor.u32 $0x1C01, s30;
	[bflag:$0x0] =	sbarrier.arrive $0xFFFF  }
0x99: {  	[hbm:s18], [sflag:s21] =	dma.local [spmem:s31], $0xC80  }
.LBB2_11:
0x9a: {  	p2 =	sne.s32 s22, $0x1;
	s22 =	sadd.s32 $0xFFFFFFFF, s22  }
.Ltmp10:
0x9b: {  	s0 =	sshrl.u32 s23, $0x3;
	s24 =	sadd.s32 $0xC800, s24;
	(pc) =	sbr.rel @p2 .LBB2_11-.Ltmp10, $3  }
0x9c: {  	[hbm:s24], [sflag:s21] =	dma.local [spmem:s0], $0xC80  }
0x9d: {  	_ =	sdelay $0x1  }
0x9e: {  	s23 =	sadd.s32 $0x64000, s23  }
.LBB2_12:
0x9f: {  	p2 =	seq.s32 s11, $0x1  }
.Ltmp11:
0xa0: {  	_ = 	snop;
	(pc) =	sbr.rel @p2 .LBB2_14-.Ltmp11, $3  }
0xa1: {  	_ =	sdelay $0x1  }
0xa2: {  	_ =	swait.ge [sflag:s20], $0xC80  }
0xa3: {  	s21 =	sadd.s32 $0xFFFFFFFF, s11;
	[sflag:s20] =	ssyncset.done $0x0  }
.LBB2_13:
0xa4: {  	p2 =	seq.s32 s21, $0x1;
	s21 =	sadd.s32 $0xFFFFFFFF, s21;
	[sflag:s20] =	ssyncadd.s32 $0xFFFFF380  }
.Ltmp12:
0xa5: {  	(pc) =	sbr.rel @!p2 .LBB2_13-.Ltmp12, $3  }
0xa6: {  	_ =	sdelay $0x1  }
0xa7: {  	_ =	swait.ge [sflag:s20], $0xC80  }
0xa8: {  	[sflag:s20] =	ssyncset.done $0x0  }
.LBB2_14:
.Ltmp13:
0xa9: {  	(pc) =	sbr.rel .LBB2_22-.Ltmp13, $2  }
0xaa: {  	_ =	sdelay $0x2  }
0xab: {  	[sflag:s20] =	ssyncadd.s32 $0xFFFFF380  }
.LBB2_15:
0xac: {  	s0 =	simm.s32 @!p1 $0x0;
	s21 =	simm.s32 @!p1 $0x14080;
	s30 =	sadd.s32 $0x0, s4  }
0xad: {  	[tilespmem:s21], [sflag:$0x1] =	stream.linear.gather @!p1 [hbm4b:s8+s0], $0x4000, $0x38;
	[tilespmem:$0x1C180] =	vst v63  }
0xae: {  	s31 =	sadd.s32 $0x1, s30  }
0xaf: {  	s21 =	simm.s32 @!p1 $0x1C080;
	p2 =	sge.u32 s31, s7  }
0xb0: {  	[tilespmem:s21], [sflag:$0x1] =	stream.linear.gather @!p1 [hbm4b:s9+s0], $0x80, $0x38;
	[tilespmem:$0x1C180] =	vst v63  }
0xb1: {  	s21 =	sadd.s32 @!p2 $0xFFFFF800, s13;
	s22 =	simm.s32 @!p2 $0x0;
	s24 =	simm.s32 @!p2 $0x18080  }
0xb2: {  	[tilespmem:s24], [sflag:$0x2] =	stream.linear.gather @!p2 [hbm4b:s21+s22], $0x4000, $0x38;
	[tilespmem:$0x1C180] =	vst v63  }
0xb3: {  	p3 =	sge.u32 s30, s7;
	s25 =	simm.s32 @!p2 $0x1C100;
	s21 =	sadd.s32 @!p2 $0xFFFFFFF0, s14  }
0xb4: {  	[tilespmem:s25], [sflag:$0x2] =	stream.linear.gather @!p2 [hbm4b:s21+s22], $0x80, $0x38;
	[tilespmem:$0x1C180] =	vst v63  }
0xb5: {  	s21 =	simm.s32 @!p3 $0x1  }
0xb6: {  	_ =	swait.ge @!p3 [sflag:s21], $0x4000  }
0xb7: {  	[sflag:s21] =	ssyncset.done @!p3 $0x0  }
0xb8: {  	[sflag:s21] =	ssyncadd.s32 @!p3 $0xFFFFC000  }
0xb9: {  	s23 =	simm.s32 @!p3 $0x4;
	_ =	swait.ge @!p3 [sflag:s21], $0x80  }
0xba: {  	s26 =	simm.s32 @!p3 $0x1C080;
	s0 =	sadd.s32 $0x2, s30;
	[sflag:s21] =	ssyncset.done @!p3 $0x0  }
0xbb: {  	s22 =	simm.s32 @!p3 $0x14080;
	[sflag:s21] =	ssyncadd.s32 @!p3 $0xFFFFFF80;
	s21 =	simm.s32 @!p3 $0x80  }
0xbc: {  	[spmem:s2] =	stream.indirect.scatter.add.f32 @!p3 [tilespmem:s22], [sflag:$0x4], $0x80, s26, s21, $0xb8;
	[tilespmem:$0x1C180] =	vst v63  }
0xbd: {  	p4 =	sge.u32 s0, s7;
	_ =	swait.ge @!p3 [sflag:s23], $0x4000  }
0xbe: {  	s0 =	simm.s32 @!p4 $0x0;
	[sflag:s23] =	ssyncset.done @!p3 $0x0  }
0xbf: {  	p2 =	por p2, p2;
	s21 =	simm.s32 @!p4 $0x14080;
	[sflag:s23] =	ssyncadd.s32 @!p3 $0xFFFFC000  }
0xc0: {  	[tilespmem:s21], [sflag:$0x1] =	stream.linear.gather @!p4 [hbm4b:s13+s0], $0x4000, $0x38;
	[tilespmem:$0x1C180] =	vst v63  }
0xc1: {  	s22 =	simm.s32 @!p2 $0x2;
	s21 =	simm.s32 @!p4 $0x1C080  }
0xc2: {  	[tilespmem:s21], [sflag:$0x1] =	stream.linear.gather @!p4 [hbm4b:s14+s0], $0x80, $0x38;
	[tilespmem:$0x1C180] =	vst v63  }
0xc3: {  	_ =	swait.ge @!p2 [sflag:s22], $0x4000  }
0xc4: {  	[sflag:s22] =	ssyncset.done @!p2 $0x0  }
0xc5: {  	[sflag:s22] =	ssyncadd.s32 @!p2 $0xFFFFC000  }
0xc6: {  	s28 =	sadd.s32 $0x2, s4;
	_ =	swait.ge @!p2 [sflag:s22], $0x80  }
0xc7: {  	s29 =	simm.s32 @!p2 $0x3;
	s23 =	simm.s32 $0x4;
	[sflag:s22] =	ssyncset.done @!p2 $0x0  }
0xc8: {  	s0 =	simm.s32 @!p2 $0x80;
	s21 =	sadd.s32 $0x20, s14;
	[sflag:s22] =	ssyncadd.s32 @!p2 $0xFFFFFF80  }
0xc9: {  	[spmem:s2] =	stream.indirect.scatter.add.f32 @!p2 [tilespmem:s24], [sflag:$0x3], $0x80, s25, s0, $0xb8;
	[tilespmem:$0x1C180] =	vst v63  }
0xca: {  	s22 =	sadd.s32 $0x1000, s13;
	s25 =	sadd.s32 $0x1, s28;
	s24 =	sadd.s32 $0x2, s28  }
.LBB2_16:
0xcb: {  	p5 =	sge.u32 s25, s7  }
0xcc: {  	_ =	swait.ge @!p2 [sflag:s29], $0x4000;
	s25 =	smov.u32 s23;
	s23 =	sadd.s32 $0x2, s23  }
0xcd: {  	s0 =	sadd.s32 @!p5 $0xFFFFF800, s22;
	s30 =	simm.s32 @!p5 $0x0;
	[sflag:s29] =	ssyncset.done @!p2 $0x0  }
0xce: {  	p3 =	seq.s32 s23, $0x9E;
	s26 =	simm.s32 @!p5 $0x18080;
	[sflag:s29] =	ssyncadd.s32 @!p2 $0xFFFFC000  }
0xcf: {  	[tilespmem:s26], [sflag:$0x2] =	stream.linear.gather @!p5 [hbm4b:s0+s30], $0x4000, $0x38;
	[tilespmem:$0x1C180] =	vst v63  }
0xd0: {  	p4 =	sge.u32 s28, s7;
	s31 =	simm.s32 @!p5 $0x1C100;
	s0 =	sadd.s32 @!p5 $0xFFFFFFF0, s21  }
0xd1: {  	[tilespmem:s31], [sflag:$0x2] =	stream.linear.gather @!p5 [hbm4b:s0+s30], $0x80, $0x38;
	[tilespmem:$0x1C180] =	vst v63  }
0xd2: {  	p2 =	por p5, p5;
	s0 =	simm.s32 @!p4 $0x1  }
0xd3: {  	_ =	swait.ge @!p4 [sflag:s0], $0x4000  }
0xd4: {  	[sflag:s0] =	ssyncset.done @!p4 $0x0  }
0xd5: {  	[sflag:s0] =	ssyncadd.s32 @!p4 $0xFFFFC000  }
0xd6: {  	_ =	swait.ge @!p4 [sflag:s0], $0x80  }
0xd7: {  	s28 =	simm.s32 @!p4 $0x14080;
	s29 =	simm.s32 @!p4 $0x4;
	[sflag:s0] =	ssyncset.done @!p4 $0x0  }
0xd8: {  	s30 =	simm.s32 @!p4 $0x1C080;
	[sflag:s0] =	ssyncadd.s32 @!p4 $0xFFFFFF80;
	s0 =	simm.s32 @!p4 $0x80  }
0xd9: {  	[spmem:s2] =	stream.indirect.scatter.add.f32 @!p4 [tilespmem:s28], [sflag:$0x4], $0x80, s30, s0, $0xb8;
	[tilespmem:$0x1C180] =	vst v63  }
0xda: {  	_ =	swait.ge @!p4 [sflag:s29], $0x4000  }
0xdb: {  	p5 =	sge.u32 s24, s7;
	[sflag:s29] =	ssyncset.done @!p4 $0x0  }
0xdc: {  	s24 =	simm.s32 @!p5 $0x14080;
	s0 =	simm.s32 @!p5 $0x0;
	[sflag:s29] =	ssyncadd.s32 @!p4 $0xFFFFC000  }
0xdd: {  	[tilespmem:s24], [sflag:$0x1] =	stream.linear.gather @!p5 [hbm4b:s22+s0], $0x4000, $0x38;
	[tilespmem:$0x1C180] =	vst v63  }
0xde: {  	s30 =	simm.s32 @!p2 $0x2;
	s24 =	simm.s32 @!p5 $0x1C080  }
0xdf: {  	[tilespmem:s24], [sflag:$0x1] =	stream.linear.gather @!p5 [hbm4b:s21+s0], $0x80, $0x38;
	[tilespmem:$0x1C180] =	vst v63  }
0xe0: {  	_ =	swait.ge @!p2 [sflag:s30], $0x4000  }
0xe1: {  	[sflag:s30] =	ssyncset.done @!p2 $0x0  }
.Ltmp14:
0xe2: {  	s21 =	sadd.s32 $0x20, s21;
	[sflag:s30] =	ssyncadd.s32 @!p2 $0xFFFFC000;
	(pc) =	sbr.rel @!p3 .LBB2_16-.Ltmp14, $4  }
0xe3: {  	s22 =	sadd.s32 $0x1000, s22;
	s0 =	simm.s32 @!p2 $0x80;
	_ =	swait.ge @!p2 [sflag:s30], $0x80  }
0xe4: {  	s28 =	sadd.s32 s25, s4;
	s29 =	simm.s32 @!p2 $0x3;
	[sflag:s30] =	ssyncset.done @!p2 $0x0  }
0xe5: {  	s25 =	sadd.s32 $0x1, s28;
	s24 =	sadd.s32 $0x2, s28;
	[sflag:s30] =	ssyncadd.s32 @!p2 $0xFFFFFF80  }
0xe6: {  	[spmem:s2] =	stream.indirect.scatter.add.f32 @!p2 [tilespmem:s26], [sflag:$0x3], $0x80, s31, s0, $0xb8;
	[tilespmem:$0x1C180] =	vst v63  }
0xe7: {  	p3 =	sge.u32 s25, s7;
	_ =	swait.ge @!p2 [sflag:s29], $0x4000  }
0xe8: {  	s0 =	sadd.s32 @!p3 $0xFFFFF800, s22;
	[sflag:s29] =	ssyncset.done @!p2 $0x0  }
0xe9: {  	s23 =	simm.s32 @!p3 $0x0;
	s25 =	simm.s32 @!p3 $0x18080;
	[sflag:s29] =	ssyncadd.s32 @!p2 $0xFFFFC000  }
0xea: {  	[tilespmem:s25], [sflag:$0x2] =	stream.linear.gather @!p3 [hbm4b:s0+s23], $0x4000, $0x38;
	[tilespmem:$0x1C180] =	vst v63  }
0xeb: {  	p4 =	sge.u32 s28, s7;
	s26 =	simm.s32 @!p3 $0x1C100;
	s0 =	sadd.s32 @!p3 $0xFFFFFFF0, s21  }
0xec: {  	[tilespmem:s26], [sflag:$0x2] =	stream.linear.gather @!p3 [hbm4b:s0+s23], $0x80, $0x38;
	[tilespmem:$0x1C180] =	vst v63  }
0xed: {  	s0 =	simm.s32 @!p4 $0x1  }
0xee: {  	_ =	swait.ge @!p4 [sflag:s0], $0x4000  }
0xef: {  	[sflag:s0] =	ssyncset.done @!p4 $0x0  }
0xf0: {  	[sflag:s0] =	ssyncadd.s32 @!p4 $0xFFFFC000  }
0xf1: {  	_ =	swait.ge @!p4 [sflag:s0], $0x80  }
0xf2: {  	s28 =	simm.s32 @!p4 $0x4;
	s29 =	simm.s32 @!p4 $0x1C080;
	[sflag:s0] =	ssyncset.done @!p4 $0x0  }
0xf3: {  	s23 =	simm.s32 @!p4 $0x14080;
	[sflag:s0] =	ssyncadd.s32 @!p4 $0xFFFFFF80;
	s0 =	simm.s32 @!p4 $0x80  }
0xf4: {  	[spmem:s2] =	stream.indirect.scatter.add.f32 @!p4 [tilespmem:s23], [sflag:$0x4], $0x80, s29, s0, $0xb8;
	[tilespmem:$0x1C180] =	vst v63  }
0xf5: {  	_ =	swait.ge @!p4 [sflag:s28], $0x4000  }
0xf6: {  	p2 =	por p3, p3;
	p3 =	sge.u32 s24, s7;
	[sflag:s28] =	ssyncset.done @!p4 $0x0  }
0xf7: {  	s0 =	simm.s32 @!p3 $0x0;
	s23 =	simm.s32 @!p3 $0x14080;
	[sflag:s28] =	ssyncadd.s32 @!p4 $0xFFFFC000  }
0xf8: {  	[tilespmem:s23], [sflag:$0x1] =	stream.linear.gather @!p3 [hbm4b:s22+s0], $0x4000, $0x38;
	[tilespmem:$0x1C180] =	vst v63  }
0xf9: {  	s22 =	simm.s32 @!p3 $0x1C080;
	s23 =	simm.s32 @!p2 $0x2  }
0xfa: {  	[tilespmem:s22], [sflag:$0x1] =	stream.linear.gather @!p3 [hbm4b:s21+s0], $0x80, $0x38;
	[tilespmem:$0x1C180] =	vst v63  }
0xfb: {  	_ =	swait.ge @!p2 [sflag:s23], $0x4000  }
0xfc: {  	[sflag:s23] =	ssyncset.done @!p2 $0x0  }
0xfd: {  	[sflag:s23] =	ssyncadd.s32 @!p2 $0xFFFFC000  }
0xfe: {  	_ =	swait.ge @!p2 [sflag:s23], $0x80  }
0xff: {  	[sflag:s23] =	ssyncset.done @!p2 $0x0  }
0x100: {  	s0 =	simm.s32 @!p2 $0x80;
	s21 =	simm.s32 @!p2 $0x3;
	[sflag:s23] =	ssyncadd.s32 @!p2 $0xFFFFFF80  }
0x101: {  	[spmem:s2] =	stream.indirect.scatter.add.f32 @!p2 [tilespmem:s25], [sflag:$0x3], $0x80, s26, s0, $0xb8;
	[tilespmem:$0x1C180] =	vst v63  }
0x102: {  	_ =	swait.ge @!p2 [sflag:s21], $0x4000  }
0x103: {  	[sflag:s21] =	ssyncset.done @!p2 $0x0  }
0x104: {  	[sflag:s21] =	ssyncadd.s32 @!p2 $0xFFFFC000;
	p2 =	sne.s32 s11, $0x1  }
.Ltmp15:
0x105: {  	_ = 	snop;
	(pc) =	sbr.rel @!p2 .LBB2_19-.Ltmp15, $4  }
0x106: {  	s30 =	sshll.u32 s1, $0x6  }
0x107: {  	s31 =	sshrl.u32 s16, $0x3;
	s24 =	smov.u32 s15;
	s22 =	sadd.s32 $0xFFFFFFFF, s11  }
0x108: {  	s23 =	sadd.s32 $0x64000, s16;
	s21 =	sor.u32 $0x1C01, s30;
	[bflag:$0x0] =	sbarrier.arrive $0xFFFF  }
0x109: {  	[hbm:s15], [sflag:s21] =	dma.local [spmem:s31], $0xC80  }
.LBB2_18:
0x10a: {  	p3 =	sne.s32 s22, $0x1;
	s22 =	sadd.s32 $0xFFFFFFFF, s22  }
.Ltmp16:
0x10b: {  	s0 =	sshrl.u32 s23, $0x3;
	s24 =	sadd.s32 $0xC800, s24;
	(pc) =	sbr.rel @p3 .LBB2_18-.Ltmp16, $3  }
0x10c: {  	[hbm:s24], [sflag:s21] =	dma.local [spmem:s0], $0xC80  }
0x10d: {  	_ =	sdelay $0x1  }
0x10e: {  	s23 =	sadd.s32 $0x64000, s23  }
.LBB2_19:
.Ltmp17:
0x10f: {  	(pc) =	sbr.rel @!p2 .LBB2_21-.Ltmp17, $3  }
0x110: {  	_ =	sdelay $0x1  }
0x111: {  	_ =	swait.ge [sflag:s20], $0xC80  }
0x112: {  	s21 =	sadd.s32 $0xFFFFFFFF, s11;
	[sflag:s20] =	ssyncset.done $0x0  }
.LBB2_20:
0x113: {  	p2 =	sne.s32 s21, $0x1;
	s21 =	sadd.s32 $0xFFFFFFFF, s21;
	[sflag:s20] =	ssyncadd.s32 $0xFFFFF380  }
.Ltmp18:
0x114: {  	(pc) =	sbr.rel @p2 .LBB2_20-.Ltmp18, $3  }
0x115: {  	_ =	sdelay $0x1  }
0x116: {  	_ =	swait.ge [sflag:s20], $0xC80  }
0x117: {  	[sflag:s20] =	ssyncset.done $0x0  }
.Ltmp19:
0x118: {  	_ = 	snop;
	(pc) =	sbr.rel .LBB2_21-.Ltmp19, $1  }
0x119: {  	_ =	sdelay $0x3  }
.LBB2_23:
0x11a: {  	_ =	sfence.sel $0x180000  }
0x11b: {  	[bflag:$0x0] =	sbarrier.arrive $0xFFFF  }
0x11c: {  	_ =	strace $0x90000047  }
0x11d: {  	[bflag:$0x2] =	sbarrier.arrive $0xFFFF  }
0x11e: {  	p0 =	sne.s32 s1, $0x0;
	s0 =	rddreg [dreg:$0x5]  }
0x11f: {  	s0 =	sadd.s32 @!p0 $0x100000, s0  }
0x120: {  	[sflag:s0] =	ssyncadd.tile.s32 @!p0 $0x1;
	_ =	shalt  }
.Lfunc_end2:
_tile_overlayer_lowered:
.L_overlay_start_2:
0x121: {  	(tag) =	ssettag $0x2  }
0x122: {  	s0 =	rddreg [dreg:$0x0];
	s2 =	stileid.u32  }
0x123: {  	s1 =	rddreg [dreg:$0x1];
	p0 =	sne.s32 s2, $0x0  }
0x124: {  	s3 =	rddreg [dreg:$0x2];
	[bflag:$0x3] =	sbarrier.arrive $0xFFFF;
	s2 =	simm.s32 @!p0 $0x1C03  }
0x125: {  	[timem:s3], [sflag:s2] =	dma.local @!p0 [hbm:s0], s1  }
0x126: {  	s0 =	simm.s32 @!p0 $0x3  }
0x127: {  	_ =	swait.ge @!p0 [sflag:s0], s1  }
0x128: {  	s1 =	ssub.s32 @!p0 $0x0, s1;
	[sflag:s0] =	ssyncset.done @!p0 $0x0  }
0x129: {  	[sflag:s0] =	ssyncadd.s32 @!p0 s1  }
0x12a: {  	[bflag:$0x3] =	sbarrier.arrive $0xFFFF  }
0x12b: {  	_ =	shalt  }

</sc_bundles>
